<compile_context>
chip_gen: v7x
topology: tpu7x:2x2x1
jax: 0.10.2.dev20260603
libtpu: 0.0.44.dev20260713+nightly
codegen_flags: <defaults>
</compile_context>

<pallas_src>
import math

import jax
import jax.numpy as jnp
from jax import lax
from jax.experimental import pallas as pl
from jax.experimental.pallas import tpu as pltpu
from jax.experimental.pallas import tpu_sc as plsc

D_MODEL = 64
D_PAD = 128
SCALE = math.sqrt(D_MODEL)
CHUNK = 128

_info = plsc.get_sparse_core_info()
NUM_CORES = _info.num_cores
NUM_SUBCORES = _info.num_subcores
NW = NUM_CORES * NUM_SUBCORES


def _make_tc_format(vocab: int):
    BVT = 8192
    grid = (vocab + BVT - 1) // BVT

    def body(tt_ref, out_ref):
        blk = tt_ref[...]
        t = jnp.transpose(blk, (1, 0)) * SCALE
        out_ref[...] = jnp.concatenate(
            [t, jnp.zeros((BVT, D_PAD - D_MODEL), jnp.float32)], axis=1)

    return pl.pallas_call(
        body,
        grid=(grid,),
        in_specs=[pl.BlockSpec((D_MODEL, BVT), lambda i: (0, i))],
        out_specs=pl.BlockSpec((BVT, D_PAD), lambda i: (i, 0)),
        out_shape=jax.ShapeDtypeStruct((vocab, D_PAD), jnp.float32),
    )


def _make_sc_lookup(n_chunks_total: int):
    n_chunks = n_chunks_total // NW
    assert n_chunks * NW == n_chunks_total and n_chunks % 2 == 0
    n_pairs = n_chunks // 2

    mesh = plsc.VectorSubcoreMesh(core_axis_name="c", subcore_axis_name="s")

    @pl.kernel(
        out_type=jax.ShapeDtypeStruct((n_chunks_total * CHUNK, D_MODEL),
                                      jnp.float32),
        mesh=mesh,
        scratch_types=[
            pltpu.VMEM((n_chunks, CHUNK), jnp.int32),
            pltpu.VMEM((CHUNK, D_PAD), jnp.float32),
            pltpu.VMEM((CHUNK, D_PAD), jnp.float32),
            pltpu.VMEM((CHUNK, D_MODEL), jnp.float32),
            pltpu.VMEM((CHUNK, D_MODEL), jnp.float32),
            pltpu.SemaphoreType.DMA,
            pltpu.SemaphoreType.DMA,
            pltpu.SemaphoreType.DMA,
            pltpu.SemaphoreType.DMA,
        ],
    )
    def lookup(idx_hbm, table_hbm, out_hbm,
               idx_v, g0, g1, s0, s1, gsem0, gsem1, ssem0, ssem1):
        wid = lax.axis_index("s") * NUM_CORES + lax.axis_index("c")

        pltpu.sync_copy(idx_hbm.at[pl.ds(wid * n_chunks, n_chunks)], idx_v)

        gbuf = (g0, g1)
        sbuf = (s0, s1)
        gsem = (gsem0, gsem1)
        ssem = (ssem0, ssem1)

        def gather_start(j, b):
            pltpu.make_async_copy(
                table_hbm.at[idx_v.at[j]], gbuf[b], gsem[b]).start()

        def scale(b):
            src, dst = gbuf[b], sbuf[b]

            def body(r, carry):
                base = r * 8
                for k in range(8):
                    for c in range(D_MODEL // 16):
                        v = src[base + k, pl.ds(c * 16, 16)]
                        dst[base + k, pl.ds(c * 16, 16)] = v
                return carry

            lax.fori_loop(0, CHUNK // 8, body, 0)

        def scatter(j, b):
            return pltpu.make_async_copy(
                sbuf[b],
                out_hbm.at[pl.ds((wid * n_chunks + j) * CHUNK, CHUNK)],
                ssem[b])

        gather_start(0, 0)
        gather_start(1, 1)

        def pair(i, carry):
            for b in range(2):
                j = i * 2 + b
                pltpu.make_async_copy(
                    table_hbm.at[idx_v.at[j]], gbuf[b], gsem[b]).wait()

                @pl.when(i >= 1)
                def _wait_prev_scatter():
                    scatter(j - 2, b).wait()

                scale(b)

                @pl.when(i < n_pairs - 1)
                def _next_gather():
                    gather_start(j + 2, b)

                scatter(j, b).start()
            return carry

        lax.fori_loop(0, n_pairs, pair, 0)

        for b in range(2):
            scatter(n_chunks - 2 + b, b).wait()

    return lookup


def kernel(x, table):
    b, s = x.shape
    n = b * s
    assert n % (NW * CHUNK * 2) == 0, (b, s)
    idx = x.reshape(n // CHUNK, CHUNK).astype(jnp.int32)
    vocab = table.shape[0]
    tablep = _make_tc_format(vocab)(table.T)
    lookup = _make_sc_lookup(n // CHUNK)
    out = lookup(idx, tablep)
    return out.reshape(b, s, D_MODEL)

# --- scband reference (transcript-rebuilt; emitter-appended) ---
"""Pipeline reference for scband-input-embeddings-9809705304088 (READ-ONLY COPY).

The authoritative reference and input builder live on the scoring server;
editing this copy changes nothing except your own understanding.
"""

import jax, jax.numpy as jnp
import numpy as np
import math

D_MODAL = 64
VOCAB_SIZE = 1000000

def setup_inputs(seed: int = 0) -> dict:
    key = jax.random.key(seed)
    k1, k2 = jax.random.split(key)
    x = jax.random.randint(k1, (4096, 200), 0, VOCAB_SIZE, dtype=jnp.int64)
    table = jax.random.normal(k2, (VOCAB_SIZE, D_MODAL), dtype=jnp.float32)
    return {"x": x, "table": table}

def reference(x, table):
    emb = jnp.take(table, x, axis=0)
    return emb * math.sqrt(D_MODAL)

if __name__ == "__main__":
    import jax
    _d = setup_inputs()
    print(jax.jit(kernel)(*tuple(_d.values())))

</pallas_src>

<mosaic_0001>
#map = affine_map<(d0, d1) -> (0, 0)>
module attributes {stable_mosaic.version = 14 : i64} {
  func.func @lookup(%arg0: i32, %arg1: i32, %arg2: memref<6400x128xi32, #tpu.memory_space<hbm>>, %arg3: memref<1000000x128xf32, #tpu.memory_space<hbm>>, %arg4: memref<819200x64xf32, #tpu.memory_space<hbm>>, %arg5: memref<200x128xi32, #tpu.memory_space<vmem>>, %arg6: memref<128x128xf32, #tpu.memory_space<vmem>>, %arg7: memref<128x128xf32, #tpu.memory_space<vmem>>, %arg8: memref<128x64xf32, #tpu.memory_space<vmem>>, %arg9: memref<128x64xf32, #tpu.memory_space<vmem>>, %arg10: memref<!tpu.dma_semaphore, #tpu.memory_space<semaphore_mem>>, %arg11: memref<!tpu.dma_semaphore, #tpu.memory_space<semaphore_mem>>, %arg12: memref<!tpu.dma_semaphore, #tpu.memory_space<semaphore_mem>>, %arg13: memref<!tpu.dma_semaphore, #tpu.memory_space<semaphore_mem>>) attributes {dimension_semantics = [#tpu.dimension_semantics<core_parallel>, #tpu.dimension_semantics<subcore_parallel>], iteration_bounds = array<i64: 2, 16>, scalar_prefetch = 0 : i64, scratch_operands = 9 : i64, tpu.core_type = #tpu.core_type<sc_vector_subcore>, window_params = [{transform_indices = #map}, {transform_indices = #map}, {transform_indices = #map}]} {
    %mul3A = arith.constant 2 : i32
    %mul3A_0 = arith.muli %arg1, %mul3A : i32
    %add3A = arith.addi %mul3A_0, %arg0 : i32
    %mul3A_1 = arith.constant 200 : i32
    %mul3A_2 = arith.muli %add3A, %mul3A_1 : i32
    "tpu.region"() ({
      %run_scoped3A = tpu.sem_alloc : memref<!tpu.dma_semaphore, #tpu.memory_space<semaphore_mem>>
      %dma_start3A_40 = arith.constant 0 : i32
      %dma_start3A_41 = tpu.memref_slice %arg2[%mul3A_2, %dma_start3A_40] : memref<6400x128xi32, #tpu.memory_space<hbm>> -> memref<200x128xi32, #tpu.memory_space<hbm>>
      %dma_start3A_42 = arith.constant 0 : i32
      %dma_start3A_43 = tpu.memref_slice %arg2[%mul3A_2, %dma_start3A_42] : memref<6400x128xi32, #tpu.memory_space<hbm>> -> memref<200x128xi32, #tpu.memory_space<hbm>>
      tpu.enqueue_dma source(%dma_start3A_43 : memref<200x128xi32, #tpu.memory_space<hbm>>) target(%arg5 : memref<200x128xi32, #tpu.memory_space<vmem>>) target_semaphore(%run_scoped3A : memref<!tpu.dma_semaphore, #tpu.memory_space<semaphore_mem>>)
      %dma_wait3A_44 = arith.constant 0 : i32
      %dma_wait3A_45 = tpu.memref_slice %arg2[%mul3A_2, %dma_wait3A_44] : memref<6400x128xi32, #tpu.memory_space<hbm>> -> memref<200x128xi32, #tpu.memory_space<hbm>>
      %dma_wait3A_46 = arith.constant 0 : i32
      %dma_wait3A_47 = tpu.memref_slice %arg2[%mul3A_2, %dma_wait3A_46] : memref<6400x128xi32, #tpu.memory_space<hbm>> -> memref<200x128xi32, #tpu.memory_space<hbm>>
      tpu.wait_dma2 semaphore(%run_scoped3A : memref<!tpu.dma_semaphore, #tpu.memory_space<semaphore_mem>>) src(%dma_wait3A_47 : memref<200x128xi32, #tpu.memory_space<hbm>>) dst(%arg5 : memref<200x128xi32, #tpu.memory_space<vmem>>)
      tpu.yield
    }) : () -> ()
    %dma_start3A = arith.constant 0 : i32
    %dma_start3A_3 = arith.constant 0 : i32
    %dma_start3A_4 = tpu.memref_slice %arg5[%dma_start3A, %dma_start3A_3] : memref<200x128xi32, #tpu.memory_space<vmem>> -> memref<1x128xi32, #tpu.memory_space<vmem>>
    %dma_start3A_5 = tpu.memref_squeeze %dma_start3A_4 : memref<1x128xi32, #tpu.memory_space<vmem>> -> memref<128xi32, #tpu.memory_space<vmem>>
    %dma_start3A_6 = arith.constant 0 : i32
    %dma_start3A_7 = arith.constant 0 : i32
    %dma_start3A_8 = tpu.memref_slice %arg3[%dma_start3A_6, %dma_start3A_7] : memref<1000000x128xf32, #tpu.memory_space<hbm>> -> memref<1000000x128xf32, #tpu.memory_space<hbm>>
    tpu.enqueue_indirect_dma source(%dma_start3A_8 : memref<1000000x128xf32, #tpu.memory_space<hbm>>) target(%arg6 : memref<128x128xf32, #tpu.memory_space<vmem>>) offsets(%dma_start3A_5 : memref<128xi32, #tpu.memory_space<vmem>>) semaphore(%arg10 : memref<!tpu.dma_semaphore, #tpu.memory_space<semaphore_mem>>)
    %dma_start3A_9 = arith.constant 1 : i32
    %dma_start3A_10 = arith.constant 0 : i32
    %dma_start3A_11 = tpu.memref_slice %arg5[%dma_start3A_9, %dma_start3A_10] : memref<200x128xi32, #tpu.memory_space<vmem>> -> memref<1x128xi32, #tpu.memory_space<vmem>>
    %dma_start3A_12 = tpu.memref_squeeze %dma_start3A_11 : memref<1x128xi32, #tpu.memory_space<vmem>> -> memref<128xi32, #tpu.memory_space<vmem>>
    %dma_start3A_13 = arith.constant 0 : i32
    %dma_start3A_14 = arith.constant 0 : i32
    %dma_start3A_15 = tpu.memref_slice %arg3[%dma_start3A_13, %dma_start3A_14] : memref<1000000x128xf32, #tpu.memory_space<hbm>> -> memref<1000000x128xf32, #tpu.memory_space<hbm>>
    tpu.enqueue_indirect_dma source(%dma_start3A_15 : memref<1000000x128xf32, #tpu.memory_space<hbm>>) target(%arg7 : memref<128x128xf32, #tpu.memory_space<vmem>>) offsets(%dma_start3A_12 : memref<128xi32, #tpu.memory_space<vmem>>) semaphore(%arg11 : memref<!tpu.dma_semaphore, #tpu.memory_space<semaphore_mem>>)
    %scan3A = arith.constant 0 : i32
    %scan3A_16 = arith.constant 0 : i32
    %scan3A_17 = arith.constant 100 : i32
    %scan3A_18 = arith.addi %scan3A_16, %scan3A_17 : i32
    %scan3A_19 = arith.constant 1 : i32
    scf.for %scan3A_40 = %scan3A_16 to %scan3A_18 step %scan3A_19  : i32 {
      %mul3A_41 = arith.constant 2 : i32
      %mul3A_42 = arith.muli %scan3A_40, %mul3A_41 : i32
      %add3A_43 = arith.constant 0 : i32
      %add3A_44 = arith.addi %mul3A_42, %add3A_43 : i32
      %dma_wait3A_45 = arith.constant 0 : i32
      %dma_wait3A_46 = tpu.memref_slice %arg5[%add3A_44, %dma_wait3A_45] : memref<200x128xi32, #tpu.memory_space<vmem>> -> memref<1x128xi32, #tpu.memory_space<vmem>>
      %dma_wait3A_47 = tpu.memref_squeeze %dma_wait3A_46 : memref<1x128xi32, #tpu.memory_space<vmem>> -> memref<128xi32, #tpu.memory_space<vmem>>
      %dma_wait3A_48 = arith.constant 0 : i32
      %dma_wait3A_49 = arith.constant 0 : i32
      %dma_wait3A_50 = tpu.memref_slice %arg3[%dma_wait3A_48, %dma_wait3A_49] : memref<1000000x128xf32, #tpu.memory_space<hbm>> -> memref<1000000x128xf32, #tpu.memory_space<hbm>>
      tpu.wait_indirect_dma semaphore(%arg10 : memref<!tpu.dma_semaphore, #tpu.memory_space<semaphore_mem>>) src(%dma_wait3A_50 : memref<1000000x128xf32, #tpu.memory_space<hbm>>) dst(%arg6 : memref<128x128xf32, #tpu.memory_space<vmem>>)
      %ge3A = arith.constant 1 : i32
      %ge3A_51 = arith.cmpi sge, %scan3A_40, %ge3A : i32
      %convert_element_type3A = arith.extui %ge3A_51 : i1 to i32
      %cond3A = arith.constant 0 : i32
      %cond3A_52 = arith.cmpi ne, %convert_element_type3A, %cond3A : i32
      scf.if %cond3A_52 {
        %sub3A = arith.constant 2 : i32
        %sub3A_107 = arith.subi %add3A_44, %sub3A : i32
        %mul3A_108 = arith.constant 200 : i32
        %mul3A_109 = arith.muli %add3A, %mul3A_108 : i32
        %add3A_110 = arith.addi %mul3A_109, %sub3A_107 : i32
        %mul3A_111 = arith.constant 128 : i32
        %mul3A_112 = arith.muli %add3A_110, %mul3A_111 : i32
        %dma_wait3A_113 = arith.constant 0 : i32
        %dma_wait3A_114 = tpu.memref_slice %arg4[%mul3A_112, %dma_wait3A_113] : memref<819200x64xf32, #tpu.memory_space<hbm>> -> memref<128x64xf32, #tpu.memory_space<hbm>>
        %dma_wait3A_115 = arith.constant 0 : i32
        %dma_wait3A_116 = tpu.memref_slice %arg4[%mul3A_112, %dma_wait3A_115] : memref<819200x64xf32, #tpu.memory_space<hbm>> -> memref<128x64xf32, #tpu.memory_space<hbm>>
        tpu.wait_dma2 semaphore(%arg12 : memref<!tpu.dma_semaphore, #tpu.memory_space<semaphore_mem>>) src(%arg8 : memref<128x64xf32, #tpu.memory_space<vmem>>) dst(%dma_wait3A_116 : memref<128x64xf32, #tpu.memory_space<hbm>>)
      } else {
      }
      %scan3A_53 = arith.constant 0 : i32
      %scan3A_54 = arith.constant 0 : i32
      %scan3A_55 = arith.constant 16 : i32
      %scan3A_56 = arith.addi %scan3A_54, %scan3A_55 : i32
      %scan3A_57 = arith.constant 1 : i32
      scf.for %scan3A_107 = %scan3A_54 to %scan3A_56 step %scan3A_57  : i32 {
        %mul3A_108 = arith.constant 8 : i32
        %mul3A_109 = arith.muli %scan3A_107, %mul3A_108 : i32
        %add3A_110 = arith.constant 0 : i32
        %add3A_111 = arith.addi %mul3A_109, %add3A_110 : i32
        %get3A = arith.index_cast %add3A_111 : i32 to index
        %get3A_112 = arith.constant 0 : index
        %get3A_113 = tpu.vector_load %arg6[%get3A, %get3A_112] {strides = array<i32>} : memref<128x128xf32, #tpu.memory_space<vmem>>, vector<1x16xf32>,
        %get3A_114 = vector.shape_cast %get3A_113 : vector<1x16xf32> to vector<16xf32>
        %add3A_115 = arith.constant 0 : i32
        %add3A_116 = arith.addi %mul3A_109, %add3A_115 : i32
        %swap3A = arith.index_cast %add3A_116 : i32 to index
        %swap3A_117 = arith.constant 0 : index
        %swap3A_118 = tpu.vector_load %arg8[%swap3A, %swap3A_117] {strides = array<i32>} : memref<128x64xf32, #tpu.memory_space<vmem>>, vector<1x16xf32>,
        %swap3A_119 = vector.shape_cast %swap3A_118 : vector<1x16xf32> to vector<16xf32>
        %swap3A_120 = vector.shape_cast %get3A_114 : vector<16xf32> to vector<1x16xf32>
        tpu.vector_store %arg8[%swap3A, %swap3A_117], %swap3A_120 {strides = array<i32>} : memref<128x64xf32, #tpu.memory_space<vmem>>, vector<1x16xf32>,
        %add3A_121 = arith.constant 0 : i32
        %add3A_122 = arith.addi %mul3A_109, %add3A_121 : i32
        %get3A_123 = arith.index_cast %add3A_122 : i32 to index
        %get3A_124 = arith.constant 16 : index
        %get3A_125 = tpu.vector_load %arg6[%get3A_123, %get3A_124] {strides = array<i32>} : memref<128x128xf32, #tpu.memory_space<vmem>>, vector<1x16xf32>,
        %get3A_126 = vector.shape_cast %get3A_125 : vector<1x16xf32> to vector<16xf32>
        %add3A_127 = arith.constant 0 : i32
        %add3A_128 = arith.addi %mul3A_109, %add3A_127 : i32
        %swap3A_129 = arith.index_cast %add3A_128 : i32 to index
        %swap3A_130 = arith.constant 16 : index
        %swap3A_131 = tpu.vector_load %arg8[%swap3A_129, %swap3A_130] {strides = array<i32>} : memref<128x64xf32, #tpu.memory_space<vmem>>, vector<1x16xf32>,
        %swap3A_132 = vector.shape_cast %swap3A_131 : vector<1x16xf32> to vector<16xf32>
        %swap3A_133 = vector.shape_cast %get3A_126 : vector<16xf32> to vector<1x16xf32>
        tpu.vector_store %arg8[%swap3A_129, %swap3A_130], %swap3A_133 {strides = array<i32>} : memref<128x64xf32, #tpu.memory_space<vmem>>, vector<1x16xf32>,
        %add3A_134 = arith.constant 0 : i32
        %add3A_135 = arith.addi %mul3A_109, %add3A_134 : i32
        %get3A_136 = arith.index_cast %add3A_135 : i32 to index
        %get3A_137 = arith.constant 32 : index
        %get3A_138 = tpu.vector_load %arg6[%get3A_136, %get3A_137] {strides = array<i32>} : memref<128x128xf32, #tpu.memory_space<vmem>>, vector<1x16xf32>,
        %get3A_139 = vector.shape_cast %get3A_138 : vector<1x16xf32> to vector<16xf32>
        %add3A_140 = arith.constant 0 : i32
        %add3A_141 = arith.addi %mul3A_109, %add3A_140 : i32
        %swap3A_142 = arith.index_cast %add3A_141 : i32 to index
        %swap3A_143 = arith.constant 32 : index
        %swap3A_144 = tpu.vector_load %arg8[%swap3A_142, %swap3A_143] {strides = array<i32>} : memref<128x64xf32, #tpu.memory_space<vmem>>, vector<1x16xf32>,
        %swap3A_145 = vector.shape_cast %swap3A_144 : vector<1x16xf32> to vector<16xf32>
        %swap3A_146 = vector.shape_cast %get3A_139 : vector<16xf32> to vector<1x16xf32>
        tpu.vector_store %arg8[%swap3A_142, %swap3A_143], %swap3A_146 {strides = array<i32>} : memref<128x64xf32, #tpu.memory_space<vmem>>, vector<1x16xf32>,
        %add3A_147 = arith.constant 0 : i32
        %add3A_148 = arith.addi %mul3A_109, %add3A_147 : i32
        %get3A_149 = arith.index_cast %add3A_148 : i32 to index
        %get3A_150 = arith.constant 48 : index
        %get3A_151 = tpu.vector_load %arg6[%get3A_149, %get3A_150] {strides = array<i32>} : memref<128x128xf32, #tpu.memory_space<vmem>>, vector<1x16xf32>,
        %get3A_152 = vector.shape_cast %get3A_151 : vector<1x16xf32> to vector<16xf32>
        %add3A_153 = arith.constant 0 : i32
        %add3A_154 = arith.addi %mul3A_109, %add3A_153 : i32
        %swap3A_155 = arith.index_cast %add3A_154 : i32 to index
        %swap3A_156 = arith.constant 48 : index
        %swap3A_157 = tpu.vector_load %arg8[%swap3A_155, %swap3A_156] {strides = array<i32>} : memref<128x64xf32, #tpu.memory_space<vmem>>, vector<1x16xf32>,
        %swap3A_158 = vector.shape_cast %swap3A_157 : vector<1x16xf32> to vector<16xf32>
        %swap3A_159 = vector.shape_cast %get3A_152 : vector<16xf32> to vector<1x16xf32>
        tpu.vector_store %arg8[%swap3A_155, %swap3A_156], %swap3A_159 {strides = array<i32>} : memref<128x64xf32, #tpu.memory_space<vmem>>, vector<1x16xf32>,
        %add3A_160 = arith.constant 1 : i32
        %add3A_161 = arith.addi %mul3A_109, %add3A_160 : i32
        %get3A_162 = arith.index_cast %add3A_161 : i32 to index
        %get3A_163 = arith.constant 0 : index
        %get3A_164 = tpu.vector_load %arg6[%get3A_162, %get3A_163] {strides = array<i32>} : memref<128x128xf32, #tpu.memory_space<vmem>>, vector<1x16xf32>,
        %get3A_165 = vector.shape_cast %get3A_164 : vector<1x16xf32> to vector<16xf32>
        %add3A_166 = arith.constant 1 : i32
        %add3A_167 = arith.addi %mul3A_109, %add3A_166 : i32
        %swap3A_168 = arith.index_cast %add3A_167 : i32 to index
        %swap3A_169 = arith.constant 0 : index
        %swap3A_170 = tpu.vector_load %arg8[%swap3A_168, %swap3A_169] {strides = array<i32>} : memref<128x64xf32, #tpu.memory_space<vmem>>, vector<1x16xf32>,
        %swap3A_171 = vector.shape_cast %swap3A_170 : vector<1x16xf32> to vector<16xf32>
        %swap3A_172 = vector.shape_cast %get3A_165 : vector<16xf32> to vector<1x16xf32>
        tpu.vector_store %arg8[%swap3A_168, %swap3A_169], %swap3A_172 {strides = array<i32>} : memref<128x64xf32, #tpu.memory_space<vmem>>, vector<1x16xf32>,
        %add3A_173 = arith.constant 1 : i32
        %add3A_174 = arith.addi %mul3A_109, %add3A_173 : i32
        %get3A_175 = arith.index_cast %add3A_174 : i32 to index
        %get3A_176 = arith.constant 16 : index
        %get3A_177 = tpu.vector_load %arg6[%get3A_175, %get3A_176] {strides = array<i32>} : memref<128x128xf32, #tpu.memory_space<vmem>>, vector<1x16xf32>,
        %get3A_178 = vector.shape_cast %get3A_177 : vector<1x16xf32> to vector<16xf32>
        %add3A_179 = arith.constant 1 : i32
        %add3A_180 = arith.addi %mul3A_109, %add3A_179 : i32
        %swap3A_181 = arith.index_cast %add3A_180 : i32 to index
        %swap3A_182 = arith.constant 16 : index
        %swap3A_183 = tpu.vector_load %arg8[%swap3A_181, %swap3A_182] {strides = array<i32>} : memref<128x64xf32, #tpu.memory_space<vmem>>, vector<1x16xf32>,
        %swap3A_184 = vector.shape_cast %swap3A_183 : vector<1x16xf32> to vector<16xf32>
        %swap3A_185 = vector.shape_cast %get3A_178 : vector<16xf32> to vector<1x16xf32>
        tpu.vector_store %arg8[%swap3A_181, %swap3A_182], %swap3A_185 {strides = array<i32>} : memref<128x64xf32, #tpu.memory_space<vmem>>, vector<1x16xf32>,
        %add3A_186 = arith.constant 1 : i32
        %add3A_187 = arith.addi %mul3A_109, %add3A_186 : i32
        %get3A_188 = arith.index_cast %add3A_187 : i32 to index
        %get3A_189 = arith.constant 32 : index
        %get3A_190 = tpu.vector_load %arg6[%get3A_188, %get3A_189] {strides = array<i32>} : memref<128x128xf32, #tpu.memory_space<vmem>>, vector<1x16xf32>,
        %get3A_191 = vector.shape_cast %get3A_190 : vector<1x16xf32> to vector<16xf32>
        %add3A_192 = arith.constant 1 : i32
        %add3A_193 = arith.addi %mul3A_109, %add3A_192 : i32
        %swap3A_194 = arith.index_cast %add3A_193 : i32 to index
        %swap3A_195 = arith.constant 32 : index
        %swap3A_196 = tpu.vector_load %arg8[%swap3A_194, %swap3A_195] {strides = array<i32>} : memref<128x64xf32, #tpu.memory_space<vmem>>, vector<1x16xf32>,
        %swap3A_197 = vector.shape_cast %swap3A_196 : vector<1x16xf32> to vector<16xf32>
        %swap3A_198 = vector.shape_cast %get3A_191 : vector<16xf32> to vector<1x16xf32>
        tpu.vector_store %arg8[%swap3A_194, %swap3A_195], %swap3A_198 {strides = array<i32>} : memref<128x64xf32, #tpu.memory_space<vmem>>, vector<1x16xf32>,
        %add3A_199 = arith.constant 1 : i32
        %add3A_200 = arith.addi %mul3A_109, %add3A_199 : i32
        %get3A_201 = arith.index_cast %add3A_200 : i32 to index
        %get3A_202 = arith.constant 48 : index
        %get3A_203 = tpu.vector_load %arg6[%get3A_201, %get3A_202] {strides = array<i32>} : memref<128x128xf32, #tpu.memory_space<vmem>>, vector<1x16xf32>,
        %get3A_204 = vector.shape_cast %get3A_203 : vector<1x16xf32> to vector<16xf32>
        %add3A_205 = arith.constant 1 : i32
        %add3A_206 = arith.addi %mul3A_109, %add3A_205 : i32
        %swap3A_207 = arith.index_cast %add3A_206 : i32 to index
        %swap3A_208 = arith.constant 48 : index
        %swap3A_209 = tpu.vector_load %arg8[%swap3A_207, %swap3A_208] {strides = array<i32>} : memref<128x64xf32, #tpu.memory_space<vmem>>, vector<1x16xf32>,
        %swap3A_210 = vector.shape_cast %swap3A_209 : vector<1x16xf32> to vector<16xf32>
        %swap3A_211 = vector.shape_cast %get3A_204 : vector<16xf32> to vector<1x16xf32>
        tpu.vector_store %arg8[%swap3A_207, %swap3A_208], %swap3A_211 {strides = array<i32>} : memref<128x64xf32, #tpu.memory_space<vmem>>, vector<1x16xf32>,
        %add3A_212 = arith.constant 2 : i32
        %add3A_213 = arith.addi %mul3A_109, %add3A_212 : i32
        %get3A_214 = arith.index_cast %add3A_213 : i32 to index
        %get3A_215 = arith.constant 0 : index
        %get3A_216 = tpu.vector_load %arg6[%get3A_214, %get3A_215] {strides = array<i32>} : memref<128x128xf32, #tpu.memory_space<vmem>>, vector<1x16xf32>,
        %get3A_217 = vector.shape_cast %get3A_216 : vector<1x16xf32> to vector<16xf32>
        %add3A_218 = arith.constant 2 : i32
        %add3A_219 = arith.addi %mul3A_109, %add3A_218 : i32
        %swap3A_220 = arith.index_cast %add3A_219 : i32 to index
        %swap3A_221 = arith.constant 0 : index
        %swap3A_222 = tpu.vector_load %arg8[%swap3A_220, %swap3A_221] {strides = array<i32>} : memref<128x64xf32, #tpu.memory_space<vmem>>, vector<1x16xf32>,
        %swap3A_223 = vector.shape_cast %swap3A_222 : vector<1x16xf32> to vector<16xf32>
        %swap3A_224 = vector.shape_cast %get3A_217 : vector<16xf32> to vector<1x16xf32>
        tpu.vector_store %arg8[%swap3A_220, %swap3A_221], %swap3A_224 {strides = array<i32>} : memref<128x64xf32, #tpu.memory_space<vmem>>, vector<1x16xf32>,
        %add3A_225 = arith.constant 2 : i32
        %add3A_226 = arith.addi %mul3A_109, %add3A_225 : i32
        %get3A_227 = arith.index_cast %add3A_226 : i32 to index
        %get3A_228 = arith.constant 16 : index
        %get3A_229 = tpu.vector_load %arg6[%get3A_227, %get3A_228] {strides = array<i32>} : memref<128x128xf32, #tpu.memory_space<vmem>>, vector<1x16xf32>,
        %get3A_230 = vector.shape_cast %get3A_229 : vector<1x16xf32> to vector<16xf32>
        %add3A_231 = arith.constant 2 : i32
        %add3A_232 = arith.addi %mul3A_109, %add3A_231 : i32
        %swap3A_233 = arith.index_cast %add3A_232 : i32 to index
        %swap3A_234 = arith.constant 16 : index
        %swap3A_235 = tpu.vector_load %arg8[%swap3A_233, %swap3A_234] {strides = array<i32>} : memref<128x64xf32, #tpu.memory_space<vmem>>, vector<1x16xf32>,
        %swap3A_236 = vector.shape_cast %swap3A_235 : vector<1x16xf32> to vector<16xf32>
        %swap3A_237 = vector.shape_cast %get3A_230 : vector<16xf32> to vector<1x16xf32>
        tpu.vector_store %arg8[%swap3A_233, %swap3A_234], %swap3A_237 {strides = array<i32>} : memref<128x64xf32, #tpu.memory_space<vmem>>, vector<1x16xf32>,
        %add3A_238 = arith.constant 2 : i32
        %add3A_239 = arith.addi %mul3A_109, %add3A_238 : i32
        %get3A_240 = arith.index_cast %add3A_239 : i32 to index
        %get3A_241 = arith.constant 32 : index
        %get3A_242 = tpu.vector_load %arg6[%get3A_240, %get3A_241] {strides = array<i32>} : memref<128x128xf32, #tpu.memory_space<vmem>>, vector<1x16xf32>,
        %get3A_243 = vector.shape_cast %get3A_242 : vector<1x16xf32> to vector<16xf32>
        %add3A_244 = arith.constant 2 : i32
        %add3A_245 = arith.addi %mul3A_109, %add3A_244 : i32
        %swap3A_246 = arith.index_cast %add3A_245 : i32 to index
        %swap3A_247 = arith.constant 32 : index
        %swap3A_248 = tpu.vector_load %arg8[%swap3A_246, %swap3A_247] {strides = array<i32>} : memref<128x64xf32, #tpu.memory_space<vmem>>, vector<1x16xf32>,
        %swap3A_249 = vector.shape_cast %swap3A_248 : vector<1x16xf32> to vector<16xf32>
        %swap3A_250 = vector.shape_cast %get3A_243 : vector<16xf32> to vector<1x16xf32>
        tpu.vector_store %arg8[%swap3A_246, %swap3A_247], %swap3A_250 {strides = array<i32>} : memref<128x64xf32, #tpu.memory_space<vmem>>, vector<1x16xf32>,
        %add3A_251 = arith.constant 2 : i32
        %add3A_252 = arith.addi %mul3A_109, %add3A_251 : i32
        %get3A_253 = arith.index_cast %add3A_252 : i32 to index
        %get3A_254 = arith.constant 48 : index
        %get3A_255 = tpu.vector_load %arg6[%get3A_253, %get3A_254] {strides = array<i32>} : memref<128x128xf32, #tpu.memory_space<vmem>>, vector<1x16xf32>,
        %get3A_256 = vector.shape_cast %get3A_255 : vector<1x16xf32> to vector<16xf32>
        %add3A_257 = arith.constant 2 : i32
        %add3A_258 = arith.addi %mul3A_109, %add3A_257 : i32
        %swap3A_259 = arith.index_cast %add3A_258 : i32 to index
        %swap3A_260 = arith.constant 48 : index
        %swap3A_261 = tpu.vector_load %arg8[%swap3A_259, %swap3A_260] {strides = array<i32>} : memref<128x64xf32, #tpu.memory_space<vmem>>, vector<1x16xf32>,
        %swap3A_262 = vector.shape_cast %swap3A_261 : vector<1x16xf32> to vector<16xf32>
        %swap3A_263 = vector.shape_cast %get3A_256 : vector<16xf32> to vector<1x16xf32>
        tpu.vector_store %arg8[%swap3A_259, %swap3A_260], %swap3A_263 {strides = array<i32>} : memref<128x64xf32, #tpu.memory_space<vmem>>, vector<1x16xf32>,
        %add3A_264 = arith.constant 3 : i32
        %add3A_265 = arith.addi %mul3A_109, %add3A_264 : i32
        %get3A_266 = arith.index_cast %add3A_265 : i32 to index
        %get3A_267 = arith.constant 0 : index
        %get3A_268 = tpu.vector_load %arg6[%get3A_266, %get3A_267] {strides = array<i32>} : memref<128x128xf32, #tpu.memory_space<vmem>>, vector<1x16xf32>,
        %get3A_269 = vector.shape_cast %get3A_268 : vector<1x16xf32> to vector<16xf32>
        %add3A_270 = arith.constant 3 : i32
        %add3A_271 = arith.addi %mul3A_109, %add3A_270 : i32
        %swap3A_272 = arith.index_cast %add3A_271 : i32 to index
        %swap3A_273 = arith.constant 0 : index
        %swap3A_274 = tpu.vector_load %arg8[%swap3A_272, %swap3A_273] {strides = array<i32>} : memref<128x64xf32, #tpu.memory_space<vmem>>, vector<1x16xf32>,
        %swap3A_275 = vector.shape_cast %swap3A_274 : vector<1x16xf32> to vector<16xf32>
        %swap3A_276 = vector.shape_cast %get3A_269 : vector<16xf32> to vector<1x16xf32>
        tpu.vector_store %arg8[%swap3A_272, %swap3A_273], %swap3A_276 {strides = array<i32>} : memref<128x64xf32, #tpu.memory_space<vmem>>, vector<1x16xf32>,
        %add3A_277 = arith.constant 3 : i32
        %add3A_278 = arith.addi %mul3A_109, %add3A_277 : i32
        %get3A_279 = arith.index_cast %add3A_278 : i32 to index
        %get3A_280 = arith.constant 16 : index
        %get3A_281 = tpu.vector_load %arg6[%get3A_279, %get3A_280] {strides = array<i32>} : memref<128x128xf32, #tpu.memory_space<vmem>>, vector<1x16xf32>,
        %get3A_282 = vector.shape_cast %get3A_281 : vector<1x16xf32> to vector<16xf32>
        %add3A_283 = arith.constant 3 : i32
        %add3A_284 = arith.addi %mul3A_109, %add3A_283 : i32
        %swap3A_285 = arith.index_cast %add3A_284 : i32 to index
        %swap3A_286 = arith.constant 16 : index
        %swap3A_287 = tpu.vector_load %arg8[%swap3A_285, %swap3A_286] {strides = array<i32>} : memref<128x64xf32, #tpu.memory_space<vmem>>, vector<1x16xf32>,
        %swap3A_288 = vector.shape_cast %swap3A_287 : vector<1x16xf32> to vector<16xf32>
        %swap3A_289 = vector.shape_cast %get3A_282 : vector<16xf32> to vector<1x16xf32>
        tpu.vector_store %arg8[%swap3A_285, %swap3A_286], %swap3A_289 {strides = array<i32>} : memref<128x64xf32, #tpu.memory_space<vmem>>, vector<1x16xf32>,
        %add3A_290 = arith.constant 3 : i32
        %add3A_291 = arith.addi %mul3A_109, %add3A_290 : i32
        %get3A_292 = arith.index_cast %add3A_291 : i32 to index
        %get3A_293 = arith.constant 32 : index
        %get3A_294 = tpu.vector_load %arg6[%get3A_292, %get3A_293] {strides = array<i32>} : memref<128x128xf32, #tpu.memory_space<vmem>>, vector<1x16xf32>,
        %get3A_295 = vector.shape_cast %get3A_294 : vector<1x16xf32> to vector<16xf32>
        %add3A_296 = arith.constant 3 : i32
        %add3A_297 = arith.addi %mul3A_109, %add3A_296 : i32
        %swap3A_298 = arith.index_cast %add3A_297 : i32 to index
        %swap3A_299 = arith.constant 32 : index
        %swap3A_300 = tpu.vector_load %arg8[%swap3A_298, %swap3A_299] {strides = array<i32>} : memref<128x64xf32, #tpu.memory_space<vmem>>, vector<1x16xf32>,
        %swap3A_301 = vector.shape_cast %swap3A_300 : vector<1x16xf32> to vector<16xf32>
        %swap3A_302 = vector.shape_cast %get3A_295 : vector<16xf32> to vector<1x16xf32>
        tpu.vector_store %arg8[%swap3A_298, %swap3A_299], %swap3A_302 {strides = array<i32>} : memref<128x64xf32, #tpu.memory_space<vmem>>, vector<1x16xf32>,
        %add3A_303 = arith.constant 3 : i32
        %add3A_304 = arith.addi %mul3A_109, %add3A_303 : i32
        %get3A_305 = arith.index_cast %add3A_304 : i32 to index
        %get3A_306 = arith.constant 48 : index
        %get3A_307 = tpu.vector_load %arg6[%get3A_305, %get3A_306] {strides = array<i32>} : memref<128x128xf32, #tpu.memory_space<vmem>>, vector<1x16xf32>,
        %get3A_308 = vector.shape_cast %get3A_307 : vector<1x16xf32> to vector<16xf32>
        %add3A_309 = arith.constant 3 : i32
        %add3A_310 = arith.addi %mul3A_109, %add3A_309 : i32
        %swap3A_311 = arith.index_cast %add3A_310 : i32 to index
        %swap3A_312 = arith.constant 48 : index
        %swap3A_313 = tpu.vector_load %arg8[%swap3A_311, %swap3A_312] {strides = array<i32>} : memref<128x64xf32, #tpu.memory_space<vmem>>, vector<1x16xf32>,
        %swap3A_314 = vector.shape_cast %swap3A_313 : vector<1x16xf32> to vector<16xf32>
        %swap3A_315 = vector.shape_cast %get3A_308 : vector<16xf32> to vector<1x16xf32>
        tpu.vector_store %arg8[%swap3A_311, %swap3A_312], %swap3A_315 {strides = array<i32>} : memref<128x64xf32, #tpu.memory_space<vmem>>, vector<1x16xf32>,
        %add3A_316 = arith.constant 4 : i32
        %add3A_317 = arith.addi %mul3A_109, %add3A_316 : i32
        %get3A_318 = arith.index_cast %add3A_317 : i32 to index
        %get3A_319 = arith.constant 0 : index
        %get3A_320 = tpu.vector_load %arg6[%get3A_318, %get3A_319] {strides = array<i32>} : memref<128x128xf32, #tpu.memory_space<vmem>>, vector<1x16xf32>,
        %get3A_321 = vector.shape_cast %get3A_320 : vector<1x16xf32> to vector<16xf32>
        %add3A_322 = arith.constant 4 : i32
        %add3A_323 = arith.addi %mul3A_109, %add3A_322 : i32
        %swap3A_324 = arith.index_cast %add3A_323 : i32 to index
        %swap3A_325 = arith.constant 0 : index
        %swap3A_326 = tpu.vector_load %arg8[%swap3A_324, %swap3A_325] {strides = array<i32>} : memref<128x64xf32, #tpu.memory_space<vmem>>, vector<1x16xf32>,
        %swap3A_327 = vector.shape_cast %swap3A_326 : vector<1x16xf32> to vector<16xf32>
        %swap3A_328 = vector.shape_cast %get3A_321 : vector<16xf32> to vector<1x16xf32>
        tpu.vector_store %arg8[%swap3A_324, %swap3A_325], %swap3A_328 {strides = array<i32>} : memref<128x64xf32, #tpu.memory_space<vmem>>, vector<1x16xf32>,
        %add3A_329 = arith.constant 4 : i32
        %add3A_330 = arith.addi %mul3A_109, %add3A_329 : i32
        %get3A_331 = arith.index_cast %add3A_330 : i32 to index
        %get3A_332 = arith.constant 16 : index
        %get3A_333 = tpu.vector_load %arg6[%get3A_331, %get3A_332] {strides = array<i32>} : memref<128x128xf32, #tpu.memory_space<vmem>>, vector<1x16xf32>,
        %get3A_334 = vector.shape_cast %get3A_333 : vector<1x16xf32> to vector<16xf32>
        %add3A_335 = arith.constant 4 : i32
        %add3A_336 = arith.addi %mul3A_109, %add3A_335 : i32
        %swap3A_337 = arith.index_cast %add3A_336 : i32 to index
        %swap3A_338 = arith.constant 16 : index
        %swap3A_339 = tpu.vector_load %arg8[%swap3A_337, %swap3A_338] {strides = array<i32>} : memref<128x64xf32, #tpu.memory_space<vmem>>, vector<1x16xf32>,
        %swap3A_340 = vector.shape_cast %swap3A_339 : vector<1x16xf32> to vector<16xf32>
        %swap3A_341 = vector.shape_cast %get3A_334 : vector<16xf32> to vector<1x16xf32>
        tpu.vector_store %arg8[%swap3A_337, %swap3A_338], %swap3A_341 {strides = array<i32>} : memref<128x64xf32, #tpu.memory_space<vmem>>, vector<1x16xf32>,
        %add3A_342 = arith.constant 4 : i32
        %add3A_343 = arith.addi %mul3A_109, %add3A_342 : i32
        %get3A_344 = arith.index_cast %add3A_343 : i32 to index
        %get3A_345 = arith.constant 32 : index
        %get3A_346 = tpu.vector_load %arg6[%get3A_344, %get3A_345] {strides = array<i32>} : memref<128x128xf32, #tpu.memory_space<vmem>>, vector<1x16xf32>,
        %get3A_347 = vector.shape_cast %get3A_346 : vector<1x16xf32> to vector<16xf32>
        %add3A_348 = arith.constant 4 : i32
        %add3A_349 = arith.addi %mul3A_109, %add3A_348 : i32
        %swap3A_350 = arith.index_cast %add3A_349 : i32 to index
        %swap3A_351 = arith.constant 32 : index
        %swap3A_352 = tpu.vector_load %arg8[%swap3A_350, %swap3A_351] {strides = array<i32>} : memref<128x64xf32, #tpu.memory_space<vmem>>, vector<1x16xf32>,
        %swap3A_353 = vector.shape_cast %swap3A_352 : vector<1x16xf32> to vector<16xf32>
        %swap3A_354 = vector.shape_cast %get3A_347 : vector<16xf32> to vector<1x16xf32>
        tpu.vector_store %arg8[%swap3A_350, %swap3A_351], %swap3A_354 {strides = array<i32>} : memref<128x64xf32, #tpu.memory_space<vmem>>, vector<1x16xf32>,
        %add3A_355 = arith.constant 4 : i32
        %add3A_356 = arith.addi %mul3A_109, %add3A_355 : i32
        %get3A_357 = arith.index_cast %add3A_356 : i32 to index
        %get3A_358 = arith.constant 48 : index
        %get3A_359 = tpu.vector_load %arg6[%get3A_357, %get3A_358] {strides = array<i32>} : memref<128x128xf32, #tpu.memory_space<vmem>>, vector<1x16xf32>,
        %get3A_360 = vector.shape_cast %get3A_359 : vector<1x16xf32> to vector<16xf32>
        %add3A_361 = arith.constant 4 : i32
        %add3A_362 = arith.addi %mul3A_109, %add3A_361 : i32
        %swap3A_363 = arith.index_cast %add3A_362 : i32 to index
        %swap3A_364 = arith.constant 48 : index
        %swap3A_365 = tpu.vector_load %arg8[%swap3A_363, %swap3A_364] {strides = array<i32>} : memref<128x64xf32, #tpu.memory_space<vmem>>, vector<1x16xf32>,
        %swap3A_366 = vector.shape_cast %swap3A_365 : vector<1x16xf32> to vector<16xf32>
        %swap3A_367 = vector.shape_cast %get3A_360 : vector<16xf32> to vector<1x16xf32>
        tpu.vector_store %arg8[%swap3A_363, %swap3A_364], %swap3A_367 {strides = array<i32>} : memref<128x64xf32, #tpu.memory_space<vmem>>, vector<1x16xf32>,
        %add3A_368 = arith.constant 5 : i32
        %add3A_369 = arith.addi %mul3A_109, %add3A_368 : i32
        %get3A_370 = arith.index_cast %add3A_369 : i32 to index
        %get3A_371 = arith.constant 0 : index
        %get3A_372 = tpu.vector_load %arg6[%get3A_370, %get3A_371] {strides = array<i32>} : memref<128x128xf32, #tpu.memory_space<vmem>>, vector<1x16xf32>,
        %get3A_373 = vector.shape_cast %get3A_372 : vector<1x16xf32> to vector<16xf32>
        %add3A_374 = arith.constant 5 : i32
        %add3A_375 = arith.addi %mul3A_109, %add3A_374 : i32
        %swap3A_376 = arith.index_cast %add3A_375 : i32 to index
        %swap3A_377 = arith.constant 0 : index
        %swap3A_378 = tpu.vector_load %arg8[%swap3A_376, %swap3A_377] {strides = array<i32>} : memref<128x64xf32, #tpu.memory_space<vmem>>, vector<1x16xf32>,
        %swap3A_379 = vector.shape_cast %swap3A_378 : vector<1x16xf32> to vector<16xf32>
        %swap3A_380 = vector.shape_cast %get3A_373 : vector<16xf32> to vector<1x16xf32>
        tpu.vector_store %arg8[%swap3A_376, %swap3A_377], %swap3A_380 {strides = array<i32>} : memref<128x64xf32, #tpu.memory_space<vmem>>, vector<1x16xf32>,
        %add3A_381 = arith.constant 5 : i32
        %add3A_382 = arith.addi %mul3A_109, %add3A_381 : i32
        %get3A_383 = arith.index_cast %add3A_382 : i32 to index
        %get3A_384 = arith.constant 16 : index
        %get3A_385 = tpu.vector_load %arg6[%get3A_383, %get3A_384] {strides = array<i32>} : memref<128x128xf32, #tpu.memory_space<vmem>>, vector<1x16xf32>,
        %get3A_386 = vector.shape_cast %get3A_385 : vector<1x16xf32> to vector<16xf32>
        %add3A_387 = arith.constant 5 : i32
        %add3A_388 = arith.addi %mul3A_109, %add3A_387 : i32
        %swap3A_389 = arith.index_cast %add3A_388 : i32 to index
        %swap3A_390 = arith.constant 16 : index
        %swap3A_391 = tpu.vector_load %arg8[%swap3A_389, %swap3A_390] {strides = array<i32>} : memref<128x64xf32, #tpu.memory_space<vmem>>, vector<1x16xf32>,
        %swap3A_392 = vector.shape_cast %swap3A_391 : vector<1x16xf32> to vector<16xf32>
        %swap3A_393 = vector.shape_cast %get3A_386 : vector<16xf32> to vector<1x16xf32>
        tpu.vector_store %arg8[%swap3A_389, %swap3A_390], %swap3A_393 {strides = array<i32>} : memref<128x64xf32, #tpu.memory_space<vmem>>, vector<1x16xf32>,
        %add3A_394 = arith.constant 5 : i32
        %add3A_395 = arith.addi %mul3A_109, %add3A_394 : i32
        %get3A_396 = arith.index_cast %add3A_395 : i32 to index
        %get3A_397 = arith.constant 32 : index
        %get3A_398 = tpu.vector_load %arg6[%get3A_396, %get3A_397] {strides = array<i32>} : memref<128x128xf32, #tpu.memory_space<vmem>>, vector<1x16xf32>,
        %get3A_399 = vector.shape_cast %get3A_398 : vector<1x16xf32> to vector<16xf32>
        %add3A_400 = arith.constant 5 : i32
        %add3A_401 = arith.addi %mul3A_109, %add3A_400 : i32
        %swap3A_402 = arith.index_cast %add3A_401 : i32 to index
        %swap3A_403 = arith.constant 32 : index
        %swap3A_404 = tpu.vector_load %arg8[%swap3A_402, %swap3A_403] {strides = array<i32>} : memref<128x64xf32, #tpu.memory_space<vmem>>, vector<1x16xf32>,
        %swap3A_405 = vector.shape_cast %swap3A_404 : vector<1x16xf32> to vector<16xf32>
        %swap3A_406 = vector.shape_cast %get3A_399 : vector<16xf32> to vector<1x16xf32>
        tpu.vector_store %arg8[%swap3A_402, %swap3A_403], %swap3A_406 {strides = array<i32>} : memref<128x64xf32, #tpu.memory_space<vmem>>, vector<1x16xf32>,
        %add3A_407 = arith.constant 5 : i32
        %add3A_408 = arith.addi %mul3A_109, %add3A_407 : i32
        %get3A_409 = arith.index_cast %add3A_408 : i32 to index
        %get3A_410 = arith.constant 48 : index
        %get3A_411 = tpu.vector_load %arg6[%get3A_409, %get3A_410] {strides = array<i32>} : memref<128x128xf32, #tpu.memory_space<vmem>>, vector<1x16xf32>,
        %get3A_412 = vector.shape_cast %get3A_411 : vector<1x16xf32> to vector<16xf32>
        %add3A_413 = arith.constant 5 : i32
        %add3A_414 = arith.addi %mul3A_109, %add3A_413 : i32
        %swap3A_415 = arith.index_cast %add3A_414 : i32 to index
        %swap3A_416 = arith.constant 48 : index
        %swap3A_417 = tpu.vector_load %arg8[%swap3A_415, %swap3A_416] {strides = array<i32>} : memref<128x64xf32, #tpu.memory_space<vmem>>, vector<1x16xf32>,
        %swap3A_418 = vector.shape_cast %swap3A_417 : vector<1x16xf32> to vector<16xf32>
        %swap3A_419 = vector.shape_cast %get3A_412 : vector<16xf32> to vector<1x16xf32>
        tpu.vector_store %arg8[%swap3A_415, %swap3A_416], %swap3A_419 {strides = array<i32>} : memref<128x64xf32, #tpu.memory_space<vmem>>, vector<1x16xf32>,
        %add3A_420 = arith.constant 6 : i32
        %add3A_421 = arith.addi %mul3A_109, %add3A_420 : i32
        %get3A_422 = arith.index_cast %add3A_421 : i32 to index
        %get3A_423 = arith.constant 0 : index
        %get3A_424 = tpu.vector_load %arg6[%get3A_422, %get3A_423] {strides = array<i32>} : memref<128x128xf32, #tpu.memory_space<vmem>>, vector<1x16xf32>,
        %get3A_425 = vector.shape_cast %get3A_424 : vector<1x16xf32> to vector<16xf32>
        %add3A_426 = arith.constant 6 : i32
        %add3A_427 = arith.addi %mul3A_109, %add3A_426 : i32
        %swap3A_428 = arith.index_cast %add3A_427 : i32 to index
        %swap3A_429 = arith.constant 0 : index
        %swap3A_430 = tpu.vector_load %arg8[%swap3A_428, %swap3A_429] {strides = array<i32>} : memref<128x64xf32, #tpu.memory_space<vmem>>, vector<1x16xf32>,
        %swap3A_431 = vector.shape_cast %swap3A_430 : vector<1x16xf32> to vector<16xf32>
        %swap3A_432 = vector.shape_cast %get3A_425 : vector<16xf32> to vector<1x16xf32>
        tpu.vector_store %arg8[%swap3A_428, %swap3A_429], %swap3A_432 {strides = array<i32>} : memref<128x64xf32, #tpu.memory_space<vmem>>, vector<1x16xf32>,
        %add3A_433 = arith.constant 6 : i32
        %add3A_434 = arith.addi %mul3A_109, %add3A_433 : i32
        %get3A_435 = arith.index_cast %add3A_434 : i32 to index
        %get3A_436 = arith.constant 16 : index
        %get3A_437 = tpu.vector_load %arg6[%get3A_435, %get3A_436] {strides = array<i32>} : memref<128x128xf32, #tpu.memory_space<vmem>>, vector<1x16xf32>,
        %get3A_438 = vector.shape_cast %get3A_437 : vector<1x16xf32> to vector<16xf32>
        %add3A_439 = arith.constant 6 : i32
        %add3A_440 = arith.addi %mul3A_109, %add3A_439 : i32
        %swap3A_441 = arith.index_cast %add3A_440 : i32 to index
        %swap3A_442 = arith.constant 16 : index
        %swap3A_443 = tpu.vector_load %arg8[%swap3A_441, %swap3A_442] {strides = array<i32>} : memref<128x64xf32, #tpu.memory_space<vmem>>, vector<1x16xf32>,
        %swap3A_444 = vector.shape_cast %swap3A_443 : vector<1x16xf32> to vector<16xf32>
        %swap3A_445 = vector.shape_cast %get3A_438 : vector<16xf32> to vector<1x16xf32>
        tpu.vector_store %arg8[%swap3A_441, %swap3A_442], %swap3A_445 {strides = array<i32>} : memref<128x64xf32, #tpu.memory_space<vmem>>, vector<1x16xf32>,
        %add3A_446 = arith.constant 6 : i32
        %add3A_447 = arith.addi %mul3A_109, %add3A_446 : i32
        %get3A_448 = arith.index_cast %add3A_447 : i32 to index
        %get3A_449 = arith.constant 32 : index
        %get3A_450 = tpu.vector_load %arg6[%get3A_448, %get3A_449] {strides = array<i32>} : memref<128x128xf32, #tpu.memory_space<vmem>>, vector<1x16xf32>,
        %get3A_451 = vector.shape_cast %get3A_450 : vector<1x16xf32> to vector<16xf32>
        %add3A_452 = arith.constant 6 : i32
        %add3A_453 = arith.addi %mul3A_109, %add3A_452 : i32
        %swap3A_454 = arith.index_cast %add3A_453 : i32 to index
        %swap3A_455 = arith.constant 32 : index
        %swap3A_456 = tpu.vector_load %arg8[%swap3A_454, %swap3A_455] {strides = array<i32>} : memref<128x64xf32, #tpu.memory_space<vmem>>, vector<1x16xf32>,
        %swap3A_457 = vector.shape_cast %swap3A_456 : vector<1x16xf32> to vector<16xf32>
        %swap3A_458 = vector.shape_cast %get3A_451 : vector<16xf32> to vector<1x16xf32>
        tpu.vector_store %arg8[%swap3A_454, %swap3A_455], %swap3A_458 {strides = array<i32>} : memref<128x64xf32, #tpu.memory_space<vmem>>, vector<1x16xf32>,
        %add3A_459 = arith.constant 6 : i32
        %add3A_460 = arith.addi %mul3A_109, %add3A_459 : i32
        %get3A_461 = arith.index_cast %add3A_460 : i32 to index
        %get3A_462 = arith.constant 48 : index
        %get3A_463 = tpu.vector_load %arg6[%get3A_461, %get3A_462] {strides = array<i32>} : memref<128x128xf32, #tpu.memory_space<vmem>>, vector<1x16xf32>,
        %get3A_464 = vector.shape_cast %get3A_463 : vector<1x16xf32> to vector<16xf32>
        %add3A_465 = arith.constant 6 : i32
        %add3A_466 = arith.addi %mul3A_109, %add3A_465 : i32
        %swap3A_467 = arith.index_cast %add3A_466 : i32 to index
        %swap3A_468 = arith.constant 48 : index
        %swap3A_469 = tpu.vector_load %arg8[%swap3A_467, %swap3A_468] {strides = array<i32>} : memref<128x64xf32, #tpu.memory_space<vmem>>, vector<1x16xf32>,
        %swap3A_470 = vector.shape_cast %swap3A_469 : vector<1x16xf32> to vector<16xf32>
        %swap3A_471 = vector.shape_cast %get3A_464 : vector<16xf32> to vector<1x16xf32>
        tpu.vector_store %arg8[%swap3A_467, %swap3A_468], %swap3A_471 {strides = array<i32>} : memref<128x64xf32, #tpu.memory_space<vmem>>, vector<1x16xf32>,
        %add3A_472 = arith.constant 7 : i32
        %add3A_473 = arith.addi %mul3A_109, %add3A_472 : i32
        %get3A_474 = arith.index_cast %add3A_473 : i32 to index
        %get3A_475 = arith.constant 0 : index
        %get3A_476 = tpu.vector_load %arg6[%get3A_474, %get3A_475] {strides = array<i32>} : memref<128x128xf32, #tpu.memory_space<vmem>>, vector<1x16xf32>,
        %get3A_477 = vector.shape_cast %get3A_476 : vector<1x16xf32> to vector<16xf32>
        %add3A_478 = arith.constant 7 : i32
        %add3A_479 = arith.addi %mul3A_109, %add3A_478 : i32
        %swap3A_480 = arith.index_cast %add3A_479 : i32 to index
        %swap3A_481 = arith.constant 0 : index
        %swap3A_482 = tpu.vector_load %arg8[%swap3A_480, %swap3A_481] {strides = array<i32>} : memref<128x64xf32, #tpu.memory_space<vmem>>, vector<1x16xf32>,
        %swap3A_483 = vector.shape_cast %swap3A_482 : vector<1x16xf32> to vector<16xf32>
        %swap3A_484 = vector.shape_cast %get3A_477 : vector<16xf32> to vector<1x16xf32>
        tpu.vector_store %arg8[%swap3A_480, %swap3A_481], %swap3A_484 {strides = array<i32>} : memref<128x64xf32, #tpu.memory_space<vmem>>, vector<1x16xf32>,
        %add3A_485 = arith.constant 7 : i32
        %add3A_486 = arith.addi %mul3A_109, %add3A_485 : i32
        %get3A_487 = arith.index_cast %add3A_486 : i32 to index
        %get3A_488 = arith.constant 16 : index
        %get3A_489 = tpu.vector_load %arg6[%get3A_487, %get3A_488] {strides = array<i32>} : memref<128x128xf32, #tpu.memory_space<vmem>>, vector<1x16xf32>,
        %get3A_490 = vector.shape_cast %get3A_489 : vector<1x16xf32> to vector<16xf32>
        %add3A_491 = arith.constant 7 : i32
        %add3A_492 = arith.addi %mul3A_109, %add3A_491 : i32
        %swap3A_493 = arith.index_cast %add3A_492 : i32 to index
        %swap3A_494 = arith.constant 16 : index
        %swap3A_495 = tpu.vector_load %arg8[%swap3A_493, %swap3A_494] {strides = array<i32>} : memref<128x64xf32, #tpu.memory_space<vmem>>, vector<1x16xf32>,
        %swap3A_496 = vector.shape_cast %swap3A_495 : vector<1x16xf32> to vector<16xf32>
        %swap3A_497 = vector.shape_cast %get3A_490 : vector<16xf32> to vector<1x16xf32>
        tpu.vector_store %arg8[%swap3A_493, %swap3A_494], %swap3A_497 {strides = array<i32>} : memref<128x64xf32, #tpu.memory_space<vmem>>, vector<1x16xf32>,
        %add3A_498 = arith.constant 7 : i32
        %add3A_499 = arith.addi %mul3A_109, %add3A_498 : i32
        %get3A_500 = arith.index_cast %add3A_499 : i32 to index
        %get3A_501 = arith.constant 32 : index
        %get3A_502 = tpu.vector_load %arg6[%get3A_500, %get3A_501] {strides = array<i32>} : memref<128x128xf32, #tpu.memory_space<vmem>>, vector<1x16xf32>,
        %get3A_503 = vector.shape_cast %get3A_502 : vector<1x16xf32> to vector<16xf32>
        %add3A_504 = arith.constant 7 : i32
        %add3A_505 = arith.addi %mul3A_109, %add3A_504 : i32
        %swap3A_506 = arith.index_cast %add3A_505 : i32 to index
        %swap3A_507 = arith.constant 32 : index
        %swap3A_508 = tpu.vector_load %arg8[%swap3A_506, %swap3A_507] {strides = array<i32>} : memref<128x64xf32, #tpu.memory_space<vmem>>, vector<1x16xf32>,
        %swap3A_509 = vector.shape_cast %swap3A_508 : vector<1x16xf32> to vector<16xf32>
        %swap3A_510 = vector.shape_cast %get3A_503 : vector<16xf32> to vector<1x16xf32>
        tpu.vector_store %arg8[%swap3A_506, %swap3A_507], %swap3A_510 {strides = array<i32>} : memref<128x64xf32, #tpu.memory_space<vmem>>, vector<1x16xf32>,
        %add3A_511 = arith.constant 7 : i32
        %add3A_512 = arith.addi %mul3A_109, %add3A_511 : i32
        %get3A_513 = arith.index_cast %add3A_512 : i32 to index
        %get3A_514 = arith.constant 48 : index
        %get3A_515 = tpu.vector_load %arg6[%get3A_513, %get3A_514] {strides = array<i32>} : memref<128x128xf32, #tpu.memory_space<vmem>>, vector<1x16xf32>,
        %get3A_516 = vector.shape_cast %get3A_515 : vector<1x16xf32> to vector<16xf32>
        %add3A_517 = arith.constant 7 : i32
        %add3A_518 = arith.addi %mul3A_109, %add3A_517 : i32
        %swap3A_519 = arith.index_cast %add3A_518 : i32 to index
        %swap3A_520 = arith.constant 48 : index
        %swap3A_521 = tpu.vector_load %arg8[%swap3A_519, %swap3A_520] {strides = array<i32>} : memref<128x64xf32, #tpu.memory_space<vmem>>, vector<1x16xf32>,
        %swap3A_522 = vector.shape_cast %swap3A_521 : vector<1x16xf32> to vector<16xf32>
        %swap3A_523 = vector.shape_cast %get3A_516 : vector<16xf32> to vector<1x16xf32>
        tpu.vector_store %arg8[%swap3A_519, %swap3A_520], %swap3A_523 {strides = array<i32>} : memref<128x64xf32, #tpu.memory_space<vmem>>, vector<1x16xf32>,
      }
      %scan3A_58 = arith.constant 16 : i32
      %lt3A = arith.constant 99 : i32
      %lt3A_59 = arith.cmpi slt, %scan3A_40, %lt3A : i32
      %convert_element_type3A_60 = arith.extui %lt3A_59 : i1 to i32
      %cond3A_61 = arith.constant 0 : i32
      %cond3A_62 = arith.cmpi ne, %convert_element_type3A_60, %cond3A_61 : i32
      scf.if %cond3A_62 {
        %add3A_107 = arith.constant 2 : i32
        %add3A_108 = arith.addi %add3A_44, %add3A_107 : i32
        %dma_start3A_109 = arith.constant 0 : i32
        %dma_start3A_110 = tpu.memref_slice %arg5[%add3A_108, %dma_start3A_109] : memref<200x128xi32, #tpu.memory_space<vmem>> -> memref<1x128xi32, #tpu.memory_space<vmem>>
        %dma_start3A_111 = tpu.memref_squeeze %dma_start3A_110 : memref<1x128xi32, #tpu.memory_space<vmem>> -> memref<128xi32, #tpu.memory_space<vmem>>
        %dma_start3A_112 = arith.constant 0 : i32
        %dma_start3A_113 = arith.constant 0 : i32
        %dma_start3A_114 = tpu.memref_slice %arg3[%dma_start3A_112, %dma_start3A_113] : memref<1000000x128xf32, #tpu.memory_space<hbm>> -> memref<1000000x128xf32, #tpu.memory_space<hbm>>
        tpu.enqueue_indirect_dma source(%dma_start3A_114 : memref<1000000x128xf32, #tpu.memory_space<hbm>>) target(%arg6 : memref<128x128xf32, #tpu.memory_space<vmem>>) offsets(%dma_start3A_111 : memref<128xi32, #tpu.memory_space<vmem>>) semaphore(%arg10 : memref<!tpu.dma_semaphore, #tpu.memory_space<semaphore_mem>>)
      } else {
      }
      %mul3A_63 = arith.constant 200 : i32
      %mul3A_64 = arith.muli %add3A, %mul3A_63 : i32
      %add3A_65 = arith.addi %mul3A_64, %add3A_44 : i32
      %mul3A_66 = arith.constant 128 : i32
      %mul3A_67 = arith.muli %add3A_65, %mul3A_66 : i32
      %dma_start3A_68 = arith.constant 0 : i32
      %dma_start3A_69 = tpu.memref_slice %arg4[%mul3A_67, %dma_start3A_68] : memref<819200x64xf32, #tpu.memory_space<hbm>> -> memref<128x64xf32, #tpu.memory_space<hbm>>
      %dma_start3A_70 = arith.constant 0 : i32
      %dma_start3A_71 = tpu.memref_slice %arg4[%mul3A_67, %dma_start3A_70] : memref<819200x64xf32, #tpu.memory_space<hbm>> -> memref<128x64xf32, #tpu.memory_space<hbm>>
      tpu.enqueue_dma source(%arg8 : memref<128x64xf32, #tpu.memory_space<vmem>>) target(%dma_start3A_71 : memref<128x64xf32, #tpu.memory_space<hbm>>) target_semaphore(%arg12 : memref<!tpu.dma_semaphore, #tpu.memory_space<semaphore_mem>>)
      %mul3A_72 = arith.constant 2 : i32
      %mul3A_73 = arith.muli %scan3A_40, %mul3A_72 : i32
      %add3A_74 = arith.constant 1 : i32
      %add3A_75 = arith.addi %mul3A_73, %add3A_74 : i32
      %dma_wait3A_76 = arith.constant 0 : i32
      %dma_wait3A_77 = tpu.memref_slice %arg5[%add3A_75, %dma_wait3A_76] : memref<200x128xi32, #tpu.memory_space<vmem>> -> memref<1x128xi32, #tpu.memory_space<vmem>>
      %dma_wait3A_78 = tpu.memref_squeeze %dma_wait3A_77 : memref<1x128xi32, #tpu.memory_space<vmem>> -> memref<128xi32, #tpu.memory_space<vmem>>
      %dma_wait3A_79 = arith.constant 0 : i32
      %dma_wait3A_80 = arith.constant 0 : i32
      %dma_wait3A_81 = tpu.memref_slice %arg3[%dma_wait3A_79, %dma_wait3A_80] : memref<1000000x128xf32, #tpu.memory_space<hbm>> -> memref<1000000x128xf32, #tpu.memory_space<hbm>>
      tpu.wait_indirect_dma semaphore(%arg11 : memref<!tpu.dma_semaphore, #tpu.memory_space<semaphore_mem>>) src(%dma_wait3A_81 : memref<1000000x128xf32, #tpu.memory_space<hbm>>) dst(%arg7 : memref<128x128xf32, #tpu.memory_space<vmem>>)
      %ge3A_82 = arith.constant 1 : i32
      %ge3A_83 = arith.cmpi sge, %scan3A_40, %ge3A_82 : i32
      %convert_element_type3A_84 = arith.extui %ge3A_83 : i1 to i32
      %cond3A_85 = arith.constant 0 : i32
      %cond3A_86 = arith.cmpi ne, %convert_element_type3A_84, %cond3A_85 : i32
      scf.if %cond3A_86 {
        %sub3A = arith.constant 2 : i32
        %sub3A_107 = arith.subi %add3A_75, %sub3A : i32
        %mul3A_108 = arith.constant 200 : i32
        %mul3A_109 = arith.muli %add3A, %mul3A_108 : i32
        %add3A_110 = arith.addi %mul3A_109, %sub3A_107 : i32
        %mul3A_111 = arith.constant 128 : i32
        %mul3A_112 = arith.muli %add3A_110, %mul3A_111 : i32
        %dma_wait3A_113 = arith.constant 0 : i32
        %dma_wait3A_114 = tpu.memref_slice %arg4[%mul3A_112, %dma_wait3A_113] : memref<819200x64xf32, #tpu.memory_space<hbm>> -> memref<128x64xf32, #tpu.memory_space<hbm>>
        %dma_wait3A_115 = arith.constant 0 : i32
        %dma_wait3A_116 = tpu.memref_slice %arg4[%mul3A_112, %dma_wait3A_115] : memref<819200x64xf32, #tpu.memory_space<hbm>> -> memref<128x64xf32, #tpu.memory_space<hbm>>
        tpu.wait_dma2 semaphore(%arg13 : memref<!tpu.dma_semaphore, #tpu.memory_space<semaphore_mem>>) src(%arg9 : memref<128x64xf32, #tpu.memory_space<vmem>>) dst(%dma_wait3A_116 : memref<128x64xf32, #tpu.memory_space<hbm>>)
      } else {
      }
      %scan3A_87 = arith.constant 0 : i32
      %scan3A_88 = arith.constant 0 : i32
      %scan3A_89 = arith.constant 16 : i32
      %scan3A_90 = arith.addi %scan3A_88, %scan3A_89 : i32
      %scan3A_91 = arith.constant 1 : i32
      scf.for %scan3A_107 = %scan3A_88 to %scan3A_90 step %scan3A_91  : i32 {
        %mul3A_108 = arith.constant 8 : i32
        %mul3A_109 = arith.muli %scan3A_107, %mul3A_108 : i32
        %add3A_110 = arith.constant 0 : i32
        %add3A_111 = arith.addi %mul3A_109, %add3A_110 : i32
        %get3A = arith.index_cast %add3A_111 : i32 to index
        %get3A_112 = arith.constant 0 : index
        %get3A_113 = tpu.vector_load %arg7[%get3A, %get3A_112] {strides = array<i32>} : memref<128x128xf32, #tpu.memory_space<vmem>>, vector<1x16xf32>,
        %get3A_114 = vector.shape_cast %get3A_113 : vector<1x16xf32> to vector<16xf32>
        %add3A_115 = arith.constant 0 : i32
        %add3A_116 = arith.addi %mul3A_109, %add3A_115 : i32
        %swap3A = arith.index_cast %add3A_116 : i32 to index
        %swap3A_117 = arith.constant 0 : index
        %swap3A_118 = tpu.vector_load %arg9[%swap3A, %swap3A_117] {strides = array<i32>} : memref<128x64xf32, #tpu.memory_space<vmem>>, vector<1x16xf32>,
        %swap3A_119 = vector.shape_cast %swap3A_118 : vector<1x16xf32> to vector<16xf32>
        %swap3A_120 = vector.shape_cast %get3A_114 : vector<16xf32> to vector<1x16xf32>
        tpu.vector_store %arg9[%swap3A, %swap3A_117], %swap3A_120 {strides = array<i32>} : memref<128x64xf32, #tpu.memory_space<vmem>>, vector<1x16xf32>,
        %add3A_121 = arith.constant 0 : i32
        %add3A_122 = arith.addi %mul3A_109, %add3A_121 : i32
        %get3A_123 = arith.index_cast %add3A_122 : i32 to index
        %get3A_124 = arith.constant 16 : index
        %get3A_125 = tpu.vector_load %arg7[%get3A_123, %get3A_124] {strides = array<i32>} : memref<128x128xf32, #tpu.memory_space<vmem>>, vector<1x16xf32>,
        %get3A_126 = vector.shape_cast %get3A_125 : vector<1x16xf32> to vector<16xf32>
        %add3A_127 = arith.constant 0 : i32
        %add3A_128 = arith.addi %mul3A_109, %add3A_127 : i32
        %swap3A_129 = arith.index_cast %add3A_128 : i32 to index
        %swap3A_130 = arith.constant 16 : index
        %swap3A_131 = tpu.vector_load %arg9[%swap3A_129, %swap3A_130] {strides = array<i32>} : memref<128x64xf32, #tpu.memory_space<vmem>>, vector<1x16xf32>,
        %swap3A_132 = vector.shape_cast %swap3A_131 : vector<1x16xf32> to vector<16xf32>
        %swap3A_133 = vector.shape_cast %get3A_126 : vector<16xf32> to vector<1x16xf32>
        tpu.vector_store %arg9[%swap3A_129, %swap3A_130], %swap3A_133 {strides = array<i32>} : memref<128x64xf32, #tpu.memory_space<vmem>>, vector<1x16xf32>,
        %add3A_134 = arith.constant 0 : i32
        %add3A_135 = arith.addi %mul3A_109, %add3A_134 : i32
        %get3A_136 = arith.index_cast %add3A_135 : i32 to index
        %get3A_137 = arith.constant 32 : index
        %get3A_138 = tpu.vector_load %arg7[%get3A_136, %get3A_137] {strides = array<i32>} : memref<128x128xf32, #tpu.memory_space<vmem>>, vector<1x16xf32>,
        %get3A_139 = vector.shape_cast %get3A_138 : vector<1x16xf32> to vector<16xf32>
        %add3A_140 = arith.constant 0 : i32
        %add3A_141 = arith.addi %mul3A_109, %add3A_140 : i32
        %swap3A_142 = arith.index_cast %add3A_141 : i32 to index
        %swap3A_143 = arith.constant 32 : index
        %swap3A_144 = tpu.vector_load %arg9[%swap3A_142, %swap3A_143] {strides = array<i32>} : memref<128x64xf32, #tpu.memory_space<vmem>>, vector<1x16xf32>,
        %swap3A_145 = vector.shape_cast %swap3A_144 : vector<1x16xf32> to vector<16xf32>
        %swap3A_146 = vector.shape_cast %get3A_139 : vector<16xf32> to vector<1x16xf32>
        tpu.vector_store %arg9[%swap3A_142, %swap3A_143], %swap3A_146 {strides = array<i32>} : memref<128x64xf32, #tpu.memory_space<vmem>>, vector<1x16xf32>,
        %add3A_147 = arith.constant 0 : i32
        %add3A_148 = arith.addi %mul3A_109, %add3A_147 : i32
        %get3A_149 = arith.index_cast %add3A_148 : i32 to index
        %get3A_150 = arith.constant 48 : index
        %get3A_151 = tpu.vector_load %arg7[%get3A_149, %get3A_150] {strides = array<i32>} : memref<128x128xf32, #tpu.memory_space<vmem>>, vector<1x16xf32>,
        %get3A_152 = vector.shape_cast %get3A_151 : vector<1x16xf32> to vector<16xf32>
        %add3A_153 = arith.constant 0 : i32
        %add3A_154 = arith.addi %mul3A_109, %add3A_153 : i32
        %swap3A_155 = arith.index_cast %add3A_154 : i32 to index
        %swap3A_156 = arith.constant 48 : index
        %swap3A_157 = tpu.vector_load %arg9[%swap3A_155, %swap3A_156] {strides = array<i32>} : memref<128x64xf32, #tpu.memory_space<vmem>>, vector<1x16xf32>,
        %swap3A_158 = vector.shape_cast %swap3A_157 : vector<1x16xf32> to vector<16xf32>
        %swap3A_159 = vector.shape_cast %get3A_152 : vector<16xf32> to vector<1x16xf32>
        tpu.vector_store %arg9[%swap3A_155, %swap3A_156], %swap3A_159 {strides = array<i32>} : memref<128x64xf32, #tpu.memory_space<vmem>>, vector<1x16xf32>,
        %add3A_160 = arith.constant 1 : i32
        %add3A_161 = arith.addi %mul3A_109, %add3A_160 : i32
        %get3A_162 = arith.index_cast %add3A_161 : i32 to index
        %get3A_163 = arith.constant 0 : index
        %get3A_164 = tpu.vector_load %arg7[%get3A_162, %get3A_163] {strides = array<i32>} : memref<128x128xf32, #tpu.memory_space<vmem>>, vector<1x16xf32>,
        %get3A_165 = vector.shape_cast %get3A_164 : vector<1x16xf32> to vector<16xf32>
        %add3A_166 = arith.constant 1 : i32
        %add3A_167 = arith.addi %mul3A_109, %add3A_166 : i32
        %swap3A_168 = arith.index_cast %add3A_167 : i32 to index
        %swap3A_169 = arith.constant 0 : index
        %swap3A_170 = tpu.vector_load %arg9[%swap3A_168, %swap3A_169] {strides = array<i32>} : memref<128x64xf32, #tpu.memory_space<vmem>>, vector<1x16xf32>,
        %swap3A_171 = vector.shape_cast %swap3A_170 : vector<1x16xf32> to vector<16xf32>
        %swap3A_172 = vector.shape_cast %get3A_165 : vector<16xf32> to vector<1x16xf32>
        tpu.vector_store %arg9[%swap3A_168, %swap3A_169], %swap3A_172 {strides = array<i32>} : memref<128x64xf32, #tpu.memory_space<vmem>>, vector<1x16xf32>,
        %add3A_173 = arith.constant 1 : i32
        %add3A_174 = arith.addi %mul3A_109, %add3A_173 : i32
        %get3A_175 = arith.index_cast %add3A_174 : i32 to index
        %get3A_176 = arith.constant 16 : index
        %get3A_177 = tpu.vector_load %arg7[%get3A_175, %get3A_176] {strides = array<i32>} : memref<128x128xf32, #tpu.memory_space<vmem>>, vector<1x16xf32>,
        %get3A_178 = vector.shape_cast %get3A_177 : vector<1x16xf32> to vector<16xf32>
        %add3A_179 = arith.constant 1 : i32
        %add3A_180 = arith.addi %mul3A_109, %add3A_179 : i32
        %swap3A_181 = arith.index_cast %add3A_180 : i32 to index
        %swap3A_182 = arith.constant 16 : index
        %swap3A_183 = tpu.vector_load %arg9[%swap3A_181, %swap3A_182] {strides = array<i32>} : memref<128x64xf32, #tpu.memory_space<vmem>>, vector<1x16xf32>,
        %swap3A_184 = vector.shape_cast %swap3A_183 : vector<1x16xf32> to vector<16xf32>
        %swap3A_185 = vector.shape_cast %get3A_178 : vector<16xf32> to vector<1x16xf32>
        tpu.vector_store %arg9[%swap3A_181, %swap3A_182], %swap3A_185 {strides = array<i32>} : memref<128x64xf32, #tpu.memory_space<vmem>>, vector<1x16xf32>,
        %add3A_186 = arith.constant 1 : i32
        %add3A_187 = arith.addi %mul3A_109, %add3A_186 : i32
        %get3A_188 = arith.index_cast %add3A_187 : i32 to index
        %get3A_189 = arith.constant 32 : index
        %get3A_190 = tpu.vector_load %arg7[%get3A_188, %get3A_189] {strides = array<i32>} : memref<128x128xf32, #tpu.memory_space<vmem>>, vector<1x16xf32>,
        %get3A_191 = vector.shape_cast %get3A_190 : vector<1x16xf32> to vector<16xf32>
        %add3A_192 = arith.constant 1 : i32
        %add3A_193 = arith.addi %mul3A_109, %add3A_192 : i32
        %swap3A_194 = arith.index_cast %add3A_193 : i32 to index
        %swap3A_195 = arith.constant 32 : index
        %swap3A_196 = tpu.vector_load %arg9[%swap3A_194, %swap3A_195] {strides = array<i32>} : memref<128x64xf32, #tpu.memory_space<vmem>>, vector<1x16xf32>,
        %swap3A_197 = vector.shape_cast %swap3A_196 : vector<1x16xf32> to vector<16xf32>
        %swap3A_198 = vector.shape_cast %get3A_191 : vector<16xf32> to vector<1x16xf32>
        tpu.vector_store %arg9[%swap3A_194, %swap3A_195], %swap3A_198 {strides = array<i32>} : memref<128x64xf32, #tpu.memory_space<vmem>>, vector<1x16xf32>,
        %add3A_199 = arith.constant 1 : i32
        %add3A_200 = arith.addi %mul3A_109, %add3A_199 : i32
        %get3A_201 = arith.index_cast %add3A_200 : i32 to index
        %get3A_202 = arith.constant 48 : index
        %get3A_203 = tpu.vector_load %arg7[%get3A_201, %get3A_202] {strides = array<i32>} : memref<128x128xf32, #tpu.memory_space<vmem>>, vector<1x16xf32>,
        %get3A_204 = vector.shape_cast %get3A_203 : vector<1x16xf32> to vector<16xf32>
        %add3A_205 = arith.constant 1 : i32
        %add3A_206 = arith.addi %mul3A_109, %add3A_205 : i32
        %swap3A_207 = arith.index_cast %add3A_206 : i32 to index
        %swap3A_208 = arith.constant 48 : index
        %swap3A_209 = tpu.vector_load %arg9[%swap3A_207, %swap3A_208] {strides = array<i32>} : memref<128x64xf32, #tpu.memory_space<vmem>>, vector<1x16xf32>,
        %swap3A_210 = vector.shape_cast %swap3A_209 : vector<1x16xf32> to vector<16xf32>
        %swap3A_211 = vector.shape_cast %get3A_204 : vector<16xf32> to vector<1x16xf32>
        tpu.vector_store %arg9[%swap3A_207, %swap3A_208], %swap3A_211 {strides = array<i32>} : memref<128x64xf32, #tpu.memory_space<vmem>>, vector<1x16xf32>,
        %add3A_212 = arith.constant 2 : i32
        %add3A_213 = arith.addi %mul3A_109, %add3A_212 : i32
        %get3A_214 = arith.index_cast %add3A_213 : i32 to index
        %get3A_215 = arith.constant 0 : index
        %get3A_216 = tpu.vector_load %arg7[%get3A_214, %get3A_215] {strides = array<i32>} : memref<128x128xf32, #tpu.memory_space<vmem>>, vector<1x16xf32>,
        %get3A_217 = vector.shape_cast %get3A_216 : vector<1x16xf32> to vector<16xf32>
        %add3A_218 = arith.constant 2 : i32
        %add3A_219 = arith.addi %mul3A_109, %add3A_218 : i32
        %swap3A_220 = arith.index_cast %add3A_219 : i32 to index
        %swap3A_221 = arith.constant 0 : index
        %swap3A_222 = tpu.vector_load %arg9[%swap3A_220, %swap3A_221] {strides = array<i32>} : memref<128x64xf32, #tpu.memory_space<vmem>>, vector<1x16xf32>,
        %swap3A_223 = vector.shape_cast %swap3A_222 : vector<1x16xf32> to vector<16xf32>
        %swap3A_224 = vector.shape_cast %get3A_217 : vector<16xf32> to vector<1x16xf32>
        tpu.vector_store %arg9[%swap3A_220, %swap3A_221], %swap3A_224 {strides = array<i32>} : memref<128x64xf32, #tpu.memory_space<vmem>>, vector<1x16xf32>,
        %add3A_225 = arith.constant 2 : i32
        %add3A_226 = arith.addi %mul3A_109, %add3A_225 : i32
        %get3A_227 = arith.index_cast %add3A_226 : i32 to index
        %get3A_228 = arith.constant 16 : index
        %get3A_229 = tpu.vector_load %arg7[%get3A_227, %get3A_228] {strides = array<i32>} : memref<128x128xf32, #tpu.memory_space<vmem>>, vector<1x16xf32>,
        %get3A_230 = vector.shape_cast %get3A_229 : vector<1x16xf32> to vector<16xf32>
        %add3A_231 = arith.constant 2 : i32
        %add3A_232 = arith.addi %mul3A_109, %add3A_231 : i32
        %swap3A_233 = arith.index_cast %add3A_232 : i32 to index
        %swap3A_234 = arith.constant 16 : index
        %swap3A_235 = tpu.vector_load %arg9[%swap3A_233, %swap3A_234] {strides = array<i32>} : memref<128x64xf32, #tpu.memory_space<vmem>>, vector<1x16xf32>,
        %swap3A_236 = vector.shape_cast %swap3A_235 : vector<1x16xf32> to vector<16xf32>
        %swap3A_237 = vector.shape_cast %get3A_230 : vector<16xf32> to vector<1x16xf32>
        tpu.vector_store %arg9[%swap3A_233, %swap3A_234], %swap3A_237 {strides = array<i32>} : memref<128x64xf32, #tpu.memory_space<vmem>>, vector<1x16xf32>,
        %add3A_238 = arith.constant 2 : i32
        %add3A_239 = arith.addi %mul3A_109, %add3A_238 : i32
        %get3A_240 = arith.index_cast %add3A_239 : i32 to index
        %get3A_241 = arith.constant 32 : index
        %get3A_242 = tpu.vector_load %arg7[%get3A_240, %get3A_241] {strides = array<i32>} : memref<128x128xf32, #tpu.memory_space<vmem>>, vector<1x16xf32>,
        %get3A_243 = vector.shape_cast %get3A_242 : vector<1x16xf32> to vector<16xf32>
        %add3A_244 = arith.constant 2 : i32
        %add3A_245 = arith.addi %mul3A_109, %add3A_244 : i32
        %swap3A_246 = arith.index_cast %add3A_245 : i32 to index
        %swap3A_247 = arith.constant 32 : index
        %swap3A_248 = tpu.vector_load %arg9[%swap3A_246, %swap3A_247] {strides = array<i32>} : memref<128x64xf32, #tpu.memory_space<vmem>>, vector<1x16xf32>,
        %swap3A_249 = vector.shape_cast %swap3A_248 : vector<1x16xf32> to vector<16xf32>
        %swap3A_250 = vector.shape_cast %get3A_243 : vector<16xf32> to vector<1x16xf32>
        tpu.vector_store %arg9[%swap3A_246, %swap3A_247], %swap3A_250 {strides = array<i32>} : memref<128x64xf32, #tpu.memory_space<vmem>>, vector<1x16xf32>,
        %add3A_251 = arith.constant 2 : i32
        %add3A_252 = arith.addi %mul3A_109, %add3A_251 : i32
        %get3A_253 = arith.index_cast %add3A_252 : i32 to index
        %get3A_254 = arith.constant 48 : index
        %get3A_255 = tpu.vector_load %arg7[%get3A_253, %get3A_254] {strides = array<i32>} : memref<128x128xf32, #tpu.memory_space<vmem>>, vector<1x16xf32>,
        %get3A_256 = vector.shape_cast %get3A_255 : vector<1x16xf32> to vector<16xf32>
        %add3A_257 = arith.constant 2 : i32
        %add3A_258 = arith.addi %mul3A_109, %add3A_257 : i32
        %swap3A_259 = arith.index_cast %add3A_258 : i32 to index
        %swap3A_260 = arith.constant 48 : index
        %swap3A_261 = tpu.vector_load %arg9[%swap3A_259, %swap3A_260] {strides = array<i32>} : memref<128x64xf32, #tpu.memory_space<vmem>>, vector<1x16xf32>,
        %swap3A_262 = vector.shape_cast %swap3A_261 : vector<1x16xf32> to vector<16xf32>
        %swap3A_263 = vector.shape_cast %get3A_256 : vector<16xf32> to vector<1x16xf32>
        tpu.vector_store %arg9[%swap3A_259, %swap3A_260], %swap3A_263 {strides = array<i32>} : memref<128x64xf32, #tpu.memory_space<vmem>>, vector<1x16xf32>,
        %add3A_264 = arith.constant 3 : i32
        %add3A_265 = arith.addi %mul3A_109, %add3A_264 : i32
        %get3A_266 = arith.index_cast %add3A_265 : i32 to index
        %get3A_267 = arith.constant 0 : index
        %get3A_268 = tpu.vector_load %arg7[%get3A_266, %get3A_267] {strides = array<i32>} : memref<128x128xf32, #tpu.memory_space<vmem>>, vector<1x16xf32>,
        %get3A_269 = vector.shape_cast %get3A_268 : vector<1x16xf32> to vector<16xf32>
        %add3A_270 = arith.constant 3 : i32
        %add3A_271 = arith.addi %mul3A_109, %add3A_270 : i32
        %swap3A_272 = arith.index_cast %add3A_271 : i32 to index
        %swap3A_273 = arith.constant 0 : index
        %swap3A_274 = tpu.vector_load %arg9[%swap3A_272, %swap3A_273] {strides = array<i32>} : memref<128x64xf32, #tpu.memory_space<vmem>>, vector<1x16xf32>,
        %swap3A_275 = vector.shape_cast %swap3A_274 : vector<1x16xf32> to vector<16xf32>
        %swap3A_276 = vector.shape_cast %get3A_269 : vector<16xf32> to vector<1x16xf32>
        tpu.vector_store %arg9[%swap3A_272, %swap3A_273], %swap3A_276 {strides = array<i32>} : memref<128x64xf32, #tpu.memory_space<vmem>>, vector<1x16xf32>,
        %add3A_277 = arith.constant 3 : i32
        %add3A_278 = arith.addi %mul3A_109, %add3A_277 : i32
        %get3A_279 = arith.index_cast %add3A_278 : i32 to index
        %get3A_280 = arith.constant 16 : index
        %get3A_281 = tpu.vector_load %arg7[%get3A_279, %get3A_280] {strides = array<i32>} : memref<128x128xf32, #tpu.memory_space<vmem>>, vector<1x16xf32>,
        %get3A_282 = vector.shape_cast %get3A_281 : vector<1x16xf32> to vector<16xf32>
        %add3A_283 = arith.constant 3 : i32
        %add3A_284 = arith.addi %mul3A_109, %add3A_283 : i32
        %swap3A_285 = arith.index_cast %add3A_284 : i32 to index
        %swap3A_286 = arith.constant 16 : index
        %swap3A_287 = tpu.vector_load %arg9[%swap3A_285, %swap3A_286] {strides = array<i32>} : memref<128x64xf32, #tpu.memory_space<vmem>>, vector<1x16xf32>,
        %swap3A_288 = vector.shape_cast %swap3A_287 : vector<1x16xf32> to vector<16xf32>
        %swap3A_289 = vector.shape_cast %get3A_282 : vector<16xf32> to vector<1x16xf32>
        tpu.vector_store %arg9[%swap3A_285, %swap3A_286], %swap3A_289 {strides = array<i32>} : memref<128x64xf32, #tpu.memory_space<vmem>>, vector<1x16xf32>,
        %add3A_290 = arith.constant 3 : i32
        %add3A_291 = arith.addi %mul3A_109, %add3A_290 : i32
        %get3A_292 = arith.index_cast %add3A_291 : i32 to index
        %get3A_293 = arith.constant 32 : index
        %get3A_294 = tpu.vector_load %arg7[%get3A_292, %get3A_293] {strides = array<i32>} : memref<128x128xf32, #tpu.memory_space<vmem>>, vector<1x16xf32>,
        %get3A_295 = vector.shape_cast %get3A_294 : vector<1x16xf32> to vector<16xf32>
        %add3A_296 = arith.constant 3 : i32
        %add3A_297 = arith.addi %mul3A_109, %add3A_296 : i32
        %swap3A_298 = arith.index_cast %add3A_297 : i32 to index
        %swap3A_299 = arith.constant 32 : index
        %swap3A_300 = tpu.vector_load %arg9[%swap3A_298, %swap3A_299] {strides = array<i32>} : memref<128x64xf32, #tpu.memory_space<vmem>>, vector<1x16xf32>,
        %swap3A_301 = vector.shape_cast %swap3A_300 : vector<1x16xf32> to vector<16xf32>
        %swap3A_302 = vector.shape_cast %get3A_295 : vector<16xf32> to vector<1x16xf32>
        tpu.vector_store %arg9[%swap3A_298, %swap3A_299], %swap3A_302 {strides = array<i32>} : memref<128x64xf32, #tpu.memory_space<vmem>>, vector<1x16xf32>,
        %add3A_303 = arith.constant 3 : i32
        %add3A_304 = arith.addi %mul3A_109, %add3A_303 : i32
        %get3A_305 = arith.index_cast %add3A_304 : i32 to index
        %get3A_306 = arith.constant 48 : index
        %get3A_307 = tpu.vector_load %arg7[%get3A_305, %get3A_306] {strides = array<i32>} : memref<128x128xf32, #tpu.memory_space<vmem>>, vector<1x16xf32>,
        %get3A_308 = vector.shape_cast %get3A_307 : vector<1x16xf32> to vector<16xf32>
        %add3A_309 = arith.constant 3 : i32
        %add3A_310 = arith.addi %mul3A_109, %add3A_309 : i32
        %swap3A_311 = arith.index_cast %add3A_310 : i32 to index
        %swap3A_312 = arith.constant 48 : index
        %swap3A_313 = tpu.vector_load %arg9[%swap3A_311, %swap3A_312] {strides = array<i32>} : memref<128x64xf32, #tpu.memory_space<vmem>>, vector<1x16xf32>,
        %swap3A_314 = vector.shape_cast %swap3A_313 : vector<1x16xf32> to vector<16xf32>
        %swap3A_315 = vector.shape_cast %get3A_308 : vector<16xf32> to vector<1x16xf32>
        tpu.vector_store %arg9[%swap3A_311, %swap3A_312], %swap3A_315 {strides = array<i32>} : memref<128x64xf32, #tpu.memory_space<vmem>>, vector<1x16xf32>,
        %add3A_316 = arith.constant 4 : i32
        %add3A_317 = arith.addi %mul3A_109, %add3A_316 : i32
        %get3A_318 = arith.index_cast %add3A_317 : i32 to index
        %get3A_319 = arith.constant 0 : index
        %get3A_320 = tpu.vector_load %arg7[%get3A_318, %get3A_319] {strides = array<i32>} : memref<128x128xf32, #tpu.memory_space<vmem>>, vector<1x16xf32>,
        %get3A_321 = vector.shape_cast %get3A_320 : vector<1x16xf32> to vector<16xf32>
        %add3A_322 = arith.constant 4 : i32
        %add3A_323 = arith.addi %mul3A_109, %add3A_322 : i32
        %swap3A_324 = arith.index_cast %add3A_323 : i32 to index
        %swap3A_325 = arith.constant 0 : index
        %swap3A_326 = tpu.vector_load %arg9[%swap3A_324, %swap3A_325] {strides = array<i32>} : memref<128x64xf32, #tpu.memory_space<vmem>>, vector<1x16xf32>,
        %swap3A_327 = vector.shape_cast %swap3A_326 : vector<1x16xf32> to vector<16xf32>
        %swap3A_328 = vector.shape_cast %get3A_321 : vector<16xf32> to vector<1x16xf32>
        tpu.vector_store %arg9[%swap3A_324, %swap3A_325], %swap3A_328 {strides = array<i32>} : memref<128x64xf32, #tpu.memory_space<vmem>>, vector<1x16xf32>,
        %add3A_329 = arith.constant 4 : i32
        %add3A_330 = arith.addi %mul3A_109, %add3A_329 : i32
        %get3A_331 = arith.index_cast %add3A_330 : i32 to index
        %get3A_332 = arith.constant 16 : index
        %get3A_333 = tpu.vector_load %arg7[%get3A_331, %get3A_332] {strides = array<i32>} : memref<128x128xf32, #tpu.memory_space<vmem>>, vector<1x16xf32>,
        %get3A_334 = vector.shape_cast %get3A_333 : vector<1x16xf32> to vector<16xf32>
        %add3A_335 = arith.constant 4 : i32
        %add3A_336 = arith.addi %mul3A_109, %add3A_335 : i32
        %swap3A_337 = arith.index_cast %add3A_336 : i32 to index
        %swap3A_338 = arith.constant 16 : index
        %swap3A_339 = tpu.vector_load %arg9[%swap3A_337, %swap3A_338] {strides = array<i32>} : memref<128x64xf32, #tpu.memory_space<vmem>>, vector<1x16xf32>,
        %swap3A_340 = vector.shape_cast %swap3A_339 : vector<1x16xf32> to vector<16xf32>
        %swap3A_341 = vector.shape_cast %get3A_334 : vector<16xf32> to vector<1x16xf32>
        tpu.vector_store %arg9[%swap3A_337, %swap3A_338], %swap3A_341 {strides = array<i32>} : memref<128x64xf32, #tpu.memory_space<vmem>>, vector<1x16xf32>,
        %add3A_342 = arith.constant 4 : i32
        %add3A_343 = arith.addi %mul3A_109, %add3A_342 : i32
        %get3A_344 = arith.index_cast %add3A_343 : i32 to index
        %get3A_345 = arith.constant 32 : index
        %get3A_346 = tpu.vector_load %arg7[%get3A_344, %get3A_345] {strides = array<i32>} : memref<128x128xf32, #tpu.memory_space<vmem>>, vector<1x16xf32>,
        %get3A_347 = vector.shape_cast %get3A_346 : vector<1x16xf32> to vector<16xf32>
        %add3A_348 = arith.constant 4 : i32
        %add3A_349 = arith.addi %mul3A_109, %add3A_348 : i32
        %swap3A_350 = arith.index_cast %add3A_349 : i32 to index
        %swap3A_351 = arith.constant 32 : index
        %swap3A_352 = tpu.vector_load %arg9[%swap3A_350, %swap3A_351] {strides = array<i32>} : memref<128x64xf32, #tpu.memory_space<vmem>>, vector<1x16xf32>,
        %swap3A_353 = vector.shape_cast %swap3A_352 : vector<1x16xf32> to vector<16xf32>
        %swap3A_354 = vector.shape_cast %get3A_347 : vector<16xf32> to vector<1x16xf32>
        tpu.vector_store %arg9[%swap3A_350, %swap3A_351], %swap3A_354 {strides = array<i32>} : memref<128x64xf32, #tpu.memory_space<vmem>>, vector<1x16xf32>,
        %add3A_355 = arith.constant 4 : i32
        %add3A_356 = arith.addi %mul3A_109, %add3A_355 : i32
        %get3A_357 = arith.index_cast %add3A_356 : i32 to index
        %get3A_358 = arith.constant 48 : index
        %get3A_359 = tpu.vector_load %arg7[%get3A_357, %get3A_358] {strides = array<i32>} : memref<128x128xf32, #tpu.memory_space<vmem>>, vector<1x16xf32>,
        %get3A_360 = vector.shape_cast %get3A_359 : vector<1x16xf32> to vector<16xf32>
        %add3A_361 = arith.constant 4 : i32
        %add3A_362 = arith.addi %mul3A_109, %add3A_361 : i32
        %swap3A_363 = arith.index_cast %add3A_362 : i32 to index
        %swap3A_364 = arith.constant 48 : index
        %swap3A_365 = tpu.vector_load %arg9[%swap3A_363, %swap3A_364] {strides = array<i32>} : memref<128x64xf32, #tpu.memory_space<vmem>>, vector<1x16xf32>,
        %swap3A_366 = vector.shape_cast %swap3A_365 : vector<1x16xf32> to vector<16xf32>
        %swap3A_367 = vector.shape_cast %get3A_360 : vector<16xf32> to vector<1x16xf32>
        tpu.vector_store %arg9[%swap3A_363, %swap3A_364], %swap3A_367 {strides = array<i32>} : memref<128x64xf32, #tpu.memory_space<vmem>>, vector<1x16xf32>,
        %add3A_368 = arith.constant 5 : i32
        %add3A_369 = arith.addi %mul3A_109, %add3A_368 : i32
        %get3A_370 = arith.index_cast %add3A_369 : i32 to index
        %get3A_371 = arith.constant 0 : index
        %get3A_372 = tpu.vector_load %arg7[%get3A_370, %get3A_371] {strides = array<i32>} : memref<128x128xf32, #tpu.memory_space<vmem>>, vector<1x16xf32>,
        %get3A_373 = vector.shape_cast %get3A_372 : vector<1x16xf32> to vector<16xf32>
        %add3A_374 = arith.constant 5 : i32
        %add3A_375 = arith.addi %mul3A_109, %add3A_374 : i32
        %swap3A_376 = arith.index_cast %add3A_375 : i32 to index
        %swap3A_377 = arith.constant 0 : index
        %swap3A_378 = tpu.vector_load %arg9[%swap3A_376, %swap3A_377] {strides = array<i32>} : memref<128x64xf32, #tpu.memory_space<vmem>>, vector<1x16xf32>,
        %swap3A_379 = vector.shape_cast %swap3A_378 : vector<1x16xf32> to vector<16xf32>
        %swap3A_380 = vector.shape_cast %get3A_373 : vector<16xf32> to vector<1x16xf32>
        tpu.vector_store %arg9[%swap3A_376, %swap3A_377], %swap3A_380 {strides = array<i32>} : memref<128x64xf32, #tpu.memory_space<vmem>>, vector<1x16xf32>,
        %add3A_381 = arith.constant 5 : i32
        %add3A_382 = arith.addi %mul3A_109, %add3A_381 : i32
        %get3A_383 = arith.index_cast %add3A_382 : i32 to index
        %get3A_384 = arith.constant 16 : index
        %get3A_385 = tpu.vector_load %arg7[%get3A_383, %get3A_384] {strides = array<i32>} : memref<128x128xf32, #tpu.memory_space<vmem>>, vector<1x16xf32>,
        %get3A_386 = vector.shape_cast %get3A_385 : vector<1x16xf32> to vector<16xf32>
        %add3A_387 = arith.constant 5 : i32
        %add3A_388 = arith.addi %mul3A_109, %add3A_387 : i32
        %swap3A_389 = arith.index_cast %add3A_388 : i32 to index
        %swap3A_390 = arith.constant 16 : index
        %swap3A_391 = tpu.vector_load %arg9[%swap3A_389, %swap3A_390] {strides = array<i32>} : memref<128x64xf32, #tpu.memory_space<vmem>>, vector<1x16xf32>,
        %swap3A_392 = vector.shape_cast %swap3A_391 : vector<1x16xf32> to vector<16xf32>
        %swap3A_393 = vector.shape_cast %get3A_386 : vector<16xf32> to vector<1x16xf32>
        tpu.vector_store %arg9[%swap3A_389, %swap3A_390], %swap3A_393 {strides = array<i32>} : memref<128x64xf32, #tpu.memory_space<vmem>>, vector<1x16xf32>,
        %add3A_394 = arith.constant 5 : i32
        %add3A_395 = arith.addi %mul3A_109, %add3A_394 : i32
        %get3A_396 = arith.index_cast %add3A_395 : i32 to index
        %get3A_397 = arith.constant 32 : index
        %get3A_398 = tpu.vector_load %arg7[%get3A_396, %get3A_397] {strides = array<i32>} : memref<128x128xf32, #tpu.memory_space<vmem>>, vector<1x16xf32>,
        %get3A_399 = vector.shape_cast %get3A_398 : vector<1x16xf32> to vector<16xf32>
        %add3A_400 = arith.constant 5 : i32
        %add3A_401 = arith.addi %mul3A_109, %add3A_400 : i32
        %swap3A_402 = arith.index_cast %add3A_401 : i32 to index
        %swap3A_403 = arith.constant 32 : index
        %swap3A_404 = tpu.vector_load %arg9[%swap3A_402, %swap3A_403] {strides = array<i32>} : memref<128x64xf32, #tpu.memory_space<vmem>>, vector<1x16xf32>,
        %swap3A_405 = vector.shape_cast %swap3A_404 : vector<1x16xf32> to vector<16xf32>
        %swap3A_406 = vector.shape_cast %get3A_399 : vector<16xf32> to vector<1x16xf32>
        tpu.vector_store %arg9[%swap3A_402, %swap3A_403], %swap3A_406 {strides = array<i32>} : memref<128x64xf32, #tpu.memory_space<vmem>>, vector<1x16xf32>,
        %add3A_407 = arith.constant 5 : i32
        %add3A_408 = arith.addi %mul3A_109, %add3A_407 : i32
        %get3A_409 = arith.index_cast %add3A_408 : i32 to index
        %get3A_410 = arith.constant 48 : index
        %get3A_411 = tpu.vector_load %arg7[%get3A_409, %get3A_410] {strides = array<i32>} : memref<128x128xf32, #tpu.memory_space<vmem>>, vector<1x16xf32>,
        %get3A_412 = vector.shape_cast %get3A_411 : vector<1x16xf32> to vector<16xf32>
        %add3A_413 = arith.constant 5 : i32
        %add3A_414 = arith.addi %mul3A_109, %add3A_413 : i32
        %swap3A_415 = arith.index_cast %add3A_414 : i32 to index
        %swap3A_416 = arith.constant 48 : index
        %swap3A_417 = tpu.vector_load %arg9[%swap3A_415, %swap3A_416] {strides = array<i32>} : memref<128x64xf32, #tpu.memory_space<vmem>>, vector<1x16xf32>,
        %swap3A_418 = vector.shape_cast %swap3A_417 : vector<1x16xf32> to vector<16xf32>
        %swap3A_419 = vector.shape_cast %get3A_412 : vector<16xf32> to vector<1x16xf32>
        tpu.vector_store %arg9[%swap3A_415, %swap3A_416], %swap3A_419 {strides = array<i32>} : memref<128x64xf32, #tpu.memory_space<vmem>>, vector<1x16xf32>,
        %add3A_420 = arith.constant 6 : i32
        %add3A_421 = arith.addi %mul3A_109, %add3A_420 : i32
        %get3A_422 = arith.index_cast %add3A_421 : i32 to index
        %get3A_423 = arith.constant 0 : index
        %get3A_424 = tpu.vector_load %arg7[%get3A_422, %get3A_423] {strides = array<i32>} : memref<128x128xf32, #tpu.memory_space<vmem>>, vector<1x16xf32>,
        %get3A_425 = vector.shape_cast %get3A_424 : vector<1x16xf32> to vector<16xf32>
        %add3A_426 = arith.constant 6 : i32
        %add3A_427 = arith.addi %mul3A_109, %add3A_426 : i32
        %swap3A_428 = arith.index_cast %add3A_427 : i32 to index
        %swap3A_429 = arith.constant 0 : index
        %swap3A_430 = tpu.vector_load %arg9[%swap3A_428, %swap3A_429] {strides = array<i32>} : memref<128x64xf32, #tpu.memory_space<vmem>>, vector<1x16xf32>,
        %swap3A_431 = vector.shape_cast %swap3A_430 : vector<1x16xf32> to vector<16xf32>
        %swap3A_432 = vector.shape_cast %get3A_425 : vector<16xf32> to vector<1x16xf32>
        tpu.vector_store %arg9[%swap3A_428, %swap3A_429], %swap3A_432 {strides = array<i32>} : memref<128x64xf32, #tpu.memory_space<vmem>>, vector<1x16xf32>,
        %add3A_433 = arith.constant 6 : i32
        %add3A_434 = arith.addi %mul3A_109, %add3A_433 : i32
        %get3A_435 = arith.index_cast %add3A_434 : i32 to index
        %get3A_436 = arith.constant 16 : index
        %get3A_437 = tpu.vector_load %arg7[%get3A_435, %get3A_436] {strides = array<i32>} : memref<128x128xf32, #tpu.memory_space<vmem>>, vector<1x16xf32>,
        %get3A_438 = vector.shape_cast %get3A_437 : vector<1x16xf32> to vector<16xf32>
        %add3A_439 = arith.constant 6 : i32
        %add3A_440 = arith.addi %mul3A_109, %add3A_439 : i32
        %swap3A_441 = arith.index_cast %add3A_440 : i32 to index
        %swap3A_442 = arith.constant 16 : index
        %swap3A_443 = tpu.vector_load %arg9[%swap3A_441, %swap3A_442] {strides = array<i32>} : memref<128x64xf32, #tpu.memory_space<vmem>>, vector<1x16xf32>,
        %swap3A_444 = vector.shape_cast %swap3A_443 : vector<1x16xf32> to vector<16xf32>
        %swap3A_445 = vector.shape_cast %get3A_438 : vector<16xf32> to vector<1x16xf32>
        tpu.vector_store %arg9[%swap3A_441, %swap3A_442], %swap3A_445 {strides = array<i32>} : memref<128x64xf32, #tpu.memory_space<vmem>>, vector<1x16xf32>,
        %add3A_446 = arith.constant 6 : i32
        %add3A_447 = arith.addi %mul3A_109, %add3A_446 : i32
        %get3A_448 = arith.index_cast %add3A_447 : i32 to index
        %get3A_449 = arith.constant 32 : index
        %get3A_450 = tpu.vector_load %arg7[%get3A_448, %get3A_449] {strides = array<i32>} : memref<128x128xf32, #tpu.memory_space<vmem>>, vector<1x16xf32>,
        %get3A_451 = vector.shape_cast %get3A_450 : vector<1x16xf32> to vector<16xf32>
        %add3A_452 = arith.constant 6 : i32
        %add3A_453 = arith.addi %mul3A_109, %add3A_452 : i32
        %swap3A_454 = arith.index_cast %add3A_453 : i32 to index
        %swap3A_455 = arith.constant 32 : index
        %swap3A_456 = tpu.vector_load %arg9[%swap3A_454, %swap3A_455] {strides = array<i32>} : memref<128x64xf32, #tpu.memory_space<vmem>>, vector<1x16xf32>,
        %swap3A_457 = vector.shape_cast %swap3A_456 : vector<1x16xf32> to vector<16xf32>
        %swap3A_458 = vector.shape_cast %get3A_451 : vector<16xf32> to vector<1x16xf32>
        tpu.vector_store %arg9[%swap3A_454, %swap3A_455], %swap3A_458 {strides = array<i32>} : memref<128x64xf32, #tpu.memory_space<vmem>>, vector<1x16xf32>,
        %add3A_459 = arith.constant 6 : i32
        %add3A_460 = arith.addi %mul3A_109, %add3A_459 : i32
        %get3A_461 = arith.index_cast %add3A_460 : i32 to index
        %get3A_462 = arith.constant 48 : index
        %get3A_463 = tpu.vector_load %arg7[%get3A_461, %get3A_462] {strides = array<i32>} : memref<128x128xf32, #tpu.memory_space<vmem>>, vector<1x16xf32>,
        %get3A_464 = vector.shape_cast %get3A_463 : vector<1x16xf32> to vector<16xf32>
        %add3A_465 = arith.constant 6 : i32
        %add3A_466 = arith.addi %mul3A_109, %add3A_465 : i32
        %swap3A_467 = arith.index_cast %add3A_466 : i32 to index
        %swap3A_468 = arith.constant 48 : index
        %swap3A_469 = tpu.vector_load %arg9[%swap3A_467, %swap3A_468] {strides = array<i32>} : memref<128x64xf32, #tpu.memory_space<vmem>>, vector<1x16xf32>,
        %swap3A_470 = vector.shape_cast %swap3A_469 : vector<1x16xf32> to vector<16xf32>
        %swap3A_471 = vector.shape_cast %get3A_464 : vector<16xf32> to vector<1x16xf32>
        tpu.vector_store %arg9[%swap3A_467, %swap3A_468], %swap3A_471 {strides = array<i32>} : memref<128x64xf32, #tpu.memory_space<vmem>>, vector<1x16xf32>,
        %add3A_472 = arith.constant 7 : i32
        %add3A_473 = arith.addi %mul3A_109, %add3A_472 : i32
        %get3A_474 = arith.index_cast %add3A_473 : i32 to index
        %get3A_475 = arith.constant 0 : index
        %get3A_476 = tpu.vector_load %arg7[%get3A_474, %get3A_475] {strides = array<i32>} : memref<128x128xf32, #tpu.memory_space<vmem>>, vector<1x16xf32>,
        %get3A_477 = vector.shape_cast %get3A_476 : vector<1x16xf32> to vector<16xf32>
        %add3A_478 = arith.constant 7 : i32
        %add3A_479 = arith.addi %mul3A_109, %add3A_478 : i32
        %swap3A_480 = arith.index_cast %add3A_479 : i32 to index
        %swap3A_481 = arith.constant 0 : index
        %swap3A_482 = tpu.vector_load %arg9[%swap3A_480, %swap3A_481] {strides = array<i32>} : memref<128x64xf32, #tpu.memory_space<vmem>>, vector<1x16xf32>,
        %swap3A_483 = vector.shape_cast %swap3A_482 : vector<1x16xf32> to vector<16xf32>
        %swap3A_484 = vector.shape_cast %get3A_477 : vector<16xf32> to vector<1x16xf32>
        tpu.vector_store %arg9[%swap3A_480, %swap3A_481], %swap3A_484 {strides = array<i32>} : memref<128x64xf32, #tpu.memory_space<vmem>>, vector<1x16xf32>,
        %add3A_485 = arith.constant 7 : i32
        %add3A_486 = arith.addi %mul3A_109, %add3A_485 : i32
        %get3A_487 = arith.index_cast %add3A_486 : i32 to index
        %get3A_488 = arith.constant 16 : index
        %get3A_489 = tpu.vector_load %arg7[%get3A_487, %get3A_488] {strides = array<i32>} : memref<128x128xf32, #tpu.memory_space<vmem>>, vector<1x16xf32>,
        %get3A_490 = vector.shape_cast %get3A_489 : vector<1x16xf32> to vector<16xf32>
        %add3A_491 = arith.constant 7 : i32
        %add3A_492 = arith.addi %mul3A_109, %add3A_491 : i32
        %swap3A_493 = arith.index_cast %add3A_492 : i32 to index
        %swap3A_494 = arith.constant 16 : index
        %swap3A_495 = tpu.vector_load %arg9[%swap3A_493, %swap3A_494] {strides = array<i32>} : memref<128x64xf32, #tpu.memory_space<vmem>>, vector<1x16xf32>,
        %swap3A_496 = vector.shape_cast %swap3A_495 : vector<1x16xf32> to vector<16xf32>
        %swap3A_497 = vector.shape_cast %get3A_490 : vector<16xf32> to vector<1x16xf32>
        tpu.vector_store %arg9[%swap3A_493, %swap3A_494], %swap3A_497 {strides = array<i32>} : memref<128x64xf32, #tpu.memory_space<vmem>>, vector<1x16xf32>,
        %add3A_498 = arith.constant 7 : i32
        %add3A_499 = arith.addi %mul3A_109, %add3A_498 : i32
        %get3A_500 = arith.index_cast %add3A_499 : i32 to index
        %get3A_501 = arith.constant 32 : index
        %get3A_502 = tpu.vector_load %arg7[%get3A_500, %get3A_501] {strides = array<i32>} : memref<128x128xf32, #tpu.memory_space<vmem>>, vector<1x16xf32>,
        %get3A_503 = vector.shape_cast %get3A_502 : vector<1x16xf32> to vector<16xf32>
        %add3A_504 = arith.constant 7 : i32
        %add3A_505 = arith.addi %mul3A_109, %add3A_504 : i32
        %swap3A_506 = arith.index_cast %add3A_505 : i32 to index
        %swap3A_507 = arith.constant 32 : index
        %swap3A_508 = tpu.vector_load %arg9[%swap3A_506, %swap3A_507] {strides = array<i32>} : memref<128x64xf32, #tpu.memory_space<vmem>>, vector<1x16xf32>,
        %swap3A_509 = vector.shape_cast %swap3A_508 : vector<1x16xf32> to vector<16xf32>
        %swap3A_510 = vector.shape_cast %get3A_503 : vector<16xf32> to vector<1x16xf32>
        tpu.vector_store %arg9[%swap3A_506, %swap3A_507], %swap3A_510 {strides = array<i32>} : memref<128x64xf32, #tpu.memory_space<vmem>>, vector<1x16xf32>,
        %add3A_511 = arith.constant 7 : i32
        %add3A_512 = arith.addi %mul3A_109, %add3A_511 : i32
        %get3A_513 = arith.index_cast %add3A_512 : i32 to index
        %get3A_514 = arith.constant 48 : index
        %get3A_515 = tpu.vector_load %arg7[%get3A_513, %get3A_514] {strides = array<i32>} : memref<128x128xf32, #tpu.memory_space<vmem>>, vector<1x16xf32>,
        %get3A_516 = vector.shape_cast %get3A_515 : vector<1x16xf32> to vector<16xf32>
        %add3A_517 = arith.constant 7 : i32
        %add3A_518 = arith.addi %mul3A_109, %add3A_517 : i32
        %swap3A_519 = arith.index_cast %add3A_518 : i32 to index
        %swap3A_520 = arith.constant 48 : index
        %swap3A_521 = tpu.vector_load %arg9[%swap3A_519, %swap3A_520] {strides = array<i32>} : memref<128x64xf32, #tpu.memory_space<vmem>>, vector<1x16xf32>,
        %swap3A_522 = vector.shape_cast %swap3A_521 : vector<1x16xf32> to vector<16xf32>
        %swap3A_523 = vector.shape_cast %get3A_516 : vector<16xf32> to vector<1x16xf32>
        tpu.vector_store %arg9[%swap3A_519, %swap3A_520], %swap3A_523 {strides = array<i32>} : memref<128x64xf32, #tpu.memory_space<vmem>>, vector<1x16xf32>,
      }
      %scan3A_92 = arith.constant 16 : i32
      %lt3A_93 = arith.constant 99 : i32
      %lt3A_94 = arith.cmpi slt, %scan3A_40, %lt3A_93 : i32
      %convert_element_type3A_95 = arith.extui %lt3A_94 : i1 to i32
      %cond3A_96 = arith.constant 0 : i32
      %cond3A_97 = arith.cmpi ne, %convert_element_type3A_95, %cond3A_96 : i32
      scf.if %cond3A_97 {
        %add3A_107 = arith.constant 2 : i32
        %add3A_108 = arith.addi %add3A_75, %add3A_107 : i32
        %dma_start3A_109 = arith.constant 0 : i32
        %dma_start3A_110 = tpu.memref_slice %arg5[%add3A_108, %dma_start3A_109] : memref<200x128xi32, #tpu.memory_space<vmem>> -> memref<1x128xi32, #tpu.memory_space<vmem>>
        %dma_start3A_111 = tpu.memref_squeeze %dma_start3A_110 : memref<1x128xi32, #tpu.memory_space<vmem>> -> memref<128xi32, #tpu.memory_space<vmem>>
        %dma_start3A_112 = arith.constant 0 : i32
        %dma_start3A_113 = arith.constant 0 : i32
        %dma_start3A_114 = tpu.memref_slice %arg3[%dma_start3A_112, %dma_start3A_113] : memref<1000000x128xf32, #tpu.memory_space<hbm>> -> memref<1000000x128xf32, #tpu.memory_space<hbm>>
        tpu.enqueue_indirect_dma source(%dma_start3A_114 : memref<1000000x128xf32, #tpu.memory_space<hbm>>) target(%arg7 : memref<128x128xf32, #tpu.memory_space<vmem>>) offsets(%dma_start3A_111 : memref<128xi32, #tpu.memory_space<vmem>>) semaphore(%arg11 : memref<!tpu.dma_semaphore, #tpu.memory_space<semaphore_mem>>)
      } else {
      }
      %mul3A_98 = arith.constant 200 : i32
      %mul3A_99 = arith.muli %add3A, %mul3A_98 : i32
      %add3A_100 = arith.addi %mul3A_99, %add3A_75 : i32
      %mul3A_101 = arith.constant 128 : i32
      %mul3A_102 = arith.muli %add3A_100, %mul3A_101 : i32
      %dma_start3A_103 = arith.constant 0 : i32
      %dma_start3A_104 = tpu.memref_slice %arg4[%mul3A_102, %dma_start3A_103] : memref<819200x64xf32, #tpu.memory_space<hbm>> -> memref<128x64xf32, #tpu.memory_space<hbm>>
      %dma_start3A_105 = arith.constant 0 : i32
      %dma_start3A_106 = tpu.memref_slice %arg4[%mul3A_102, %dma_start3A_105] : memref<819200x64xf32, #tpu.memory_space<hbm>> -> memref<128x64xf32, #tpu.memory_space<hbm>>
      tpu.enqueue_dma source(%arg9 : memref<128x64xf32, #tpu.memory_space<vmem>>) target(%dma_start3A_106 : memref<128x64xf32, #tpu.memory_space<hbm>>) target_semaphore(%arg13 : memref<!tpu.dma_semaphore, #tpu.memory_space<semaphore_mem>>)
    }
    %scan3A_20 = arith.constant 100 : i32
    %mul3A_21 = arith.constant 200 : i32
    %mul3A_22 = arith.muli %add3A, %mul3A_21 : i32
    %add3A_23 = arith.constant 198 : i32
    %add3A_24 = arith.addi %mul3A_22, %add3A_23 : i32
    %mul3A_25 = arith.constant 128 : i32
    %mul3A_26 = arith.muli %add3A_24, %mul3A_25 : i32
    %dma_wait3A = arith.constant 0 : i32
    %dma_wait3A_27 = tpu.memref_slice %arg4[%mul3A_26, %dma_wait3A] : memref<819200x64xf32, #tpu.memory_space<hbm>> -> memref<128x64xf32, #tpu.memory_space<hbm>>
    %dma_wait3A_28 = arith.constant 0 : i32
    %dma_wait3A_29 = tpu.memref_slice %arg4[%mul3A_26, %dma_wait3A_28] : memref<819200x64xf32, #tpu.memory_space<hbm>> -> memref<128x64xf32, #tpu.memory_space<hbm>>
    tpu.wait_dma2 semaphore(%arg12 : memref<!tpu.dma_semaphore, #tpu.memory_space<semaphore_mem>>) src(%arg8 : memref<128x64xf32, #tpu.memory_space<vmem>>) dst(%dma_wait3A_29 : memref<128x64xf32, #tpu.memory_space<hbm>>)
    %mul3A_30 = arith.constant 200 : i32
    %mul3A_31 = arith.muli %add3A, %mul3A_30 : i32
    %add3A_32 = arith.constant 199 : i32
    %add3A_33 = arith.addi %mul3A_31, %add3A_32 : i32
    %mul3A_34 = arith.constant 128 : i32
    %mul3A_35 = arith.muli %add3A_33, %mul3A_34 : i32
    %dma_wait3A_36 = arith.constant 0 : i32
    %dma_wait3A_37 = tpu.memref_slice %arg4[%mul3A_35, %dma_wait3A_36] : memref<819200x64xf32, #tpu.memory_space<hbm>> -> memref<128x64xf32, #tpu.memory_space<hbm>>
    %dma_wait3A_38 = arith.constant 0 : i32
    %dma_wait3A_39 = tpu.memref_slice %arg4[%mul3A_35, %dma_wait3A_38] : memref<819200x64xf32, #tpu.memory_space<hbm>> -> memref<128x64xf32, #tpu.memory_space<hbm>>
    tpu.wait_dma2 semaphore(%arg13 : memref<!tpu.dma_semaphore, #tpu.memory_space<semaphore_mem>>) src(%arg9 : memref<128x64xf32, #tpu.memory_space<vmem>>) dst(%dma_wait3A_39 : memref<128x64xf32, #tpu.memory_space<hbm>>)
    return
  }
}

module attributes {stable_mosaic.version = 14 : i64} {
  func.func @body(%arg0: i32, %arg1: memref<64x8192xf32, #tpu.memory_space<vmem>>, %arg2: memref<8192x128xf32, #tpu.memory_space<vmem>>) attributes {dimension_semantics = [#tpu.dimension_semantics<arbitrary>], iteration_bounds = array<i64: 123>, scalar_prefetch = 0 : i64, scratch_operands = 0 : i64, tpu.core_type = #tpu.core_type<tc>, window_params = [{transform_indices = @transform_0, window_bounds = array<i64: 64, 8192>}, {transform_indices = @transform_1, window_bounds = array<i64: 8192, 128>}]} {
    %get3A = arith.constant 0 : index
    %get3A_0 = arith.constant 0 : index
    %get3A_1 = vector.load %arg1[%get3A, %get3A_0] : memref<64x8192xf32, #tpu.memory_space<vmem>>, vector<64x8192xf32>
    %transpose3A = tpu.transpose %get3A_1, [1, 0] : vector<64x8192xf32> -> vector<8192x64xf32>
    %mul3A = arith.constant 8.000000e+00 : f32
    %mul3A_2 = vector.broadcast %mul3A : f32 to vector<8192x64xf32>
    %mul3A_3 = arith.mulf %transpose3A, %mul3A_2 : vector<8192x64xf32>
    %broadcast_in_dim3A = arith.constant 0.000000e+00 : f32
    %broadcast_in_dim3A_4 = vector.broadcast %broadcast_in_dim3A : f32 to vector<8192x64xf32>
    %concatenate3A = tpu.concatenate %mul3A_3, %broadcast_in_dim3A_4 in 1 : vector<8192x64xf32>, vector<8192x64xf32> -> vector<8192x128xf32>
    %swap3A = arith.constant 0 : index
    %swap3A_5 = arith.constant 0 : index
    %swap3A_6 = vector.load %arg2[%swap3A, %swap3A_5] : memref<8192x128xf32, #tpu.memory_space<vmem>>, vector<8192x128xf32>
    tpu.vector_store %arg2[%swap3A, %swap3A_5], %concatenate3A {strides = array<i32>} : memref<8192x128xf32, #tpu.memory_space<vmem>>, vector<8192x128xf32>,
    return
  }
  func.func @transform_0(%arg0: i32) -> (i32, i32) {
    %c0_i32 = arith.constant 0 : i32
    %c0_i32_0 = arith.constant 0 : i32
    return %c0_i32, %arg0 : i32, i32
  }
  func.func @transform_1(%arg0: i32) -> (i32, i32) {
    %c0_i32 = arith.constant 0 : i32
    %c0_i32_0 = arith.constant 0 : i32
    return %arg0, %c0_i32 : i32, i32
  }
}

</mosaic_0001>

<sc_bundles>
// kernel: kernel.4.cloned.1.call-start
scs
__scs_entry_jumppad:
0x0: {  	(pc) =	sbr.rel $0x88, $3  }
0x1: {  	(tag) =	ssettag $0x0;
	lr =	simm.s32 $0x1  }
0x2: {  	[smem:$0x3F9F] =	sst lr;
	_ =	strace $0xD0000000  }
0x3: {  	_ = 	snop  }
0x4: {  	_ = 	snop  }
0x5: {  	_ = 	snop  }
0x6: {  	_ = 	snop  }
0x7: {  	_ = 	snop  }
__scs_overlays_trampoline_lowered:
0x8: {  	[smem:$0x3FAE] =	sst s0  }
0x9: {  	[smem:$0x3FAF] =	sst s1  }
0xa: {  	[smem:$0x3FB0] =	sst s2  }
0xb: {  	[smem:$0x3FB1] =	sst s3  }
0xc: {  	[smem:$0x3FB2] =	sst s4  }
0xd: {  	[smem:$0x3FB3] =	sst s5  }
0xe: {  	[smem:$0x3FB4] =	sst s6  }
0xf: {  	[smem:$0x3FB5] =	sst s7  }
0x10: {  	[smem:$0x3FB6] =	sst s8  }
0x11: {  	[smem:$0x3FB7] =	sst s9;
	s0 =	simm.s32 @!p0 $0x0  }
0x12: {  	s1 =	sld [smem:$0x3F9D];
	s0 =	simm.s32 @p0 $0x1  }
0x13: {  	[smem:$0x3FB8] =	sst s0;
	s0 =	simm.s32 @!p1 $0x0  }
0x14: {  	s2 =	sld [smem:$0x3F9C];
	s0 =	simm.s32 @p1 $0x1  }
0x15: {  	[smem:$0x3FB9] =	sst s0;
	s0 =	simm.s32 @!p2 $0x0  }
0x16: {  	s3 =	sld [smem:$0x3FDB];
	s0 =	simm.s32 @p2 $0x1  }
0x17: {  	s4 =	simm.s32 $0x1BF5;
	[smem:$0x3FBB] =	sst s0  }
0x18: {  	s0 =	sld [smem:$0x3F9E];
	_ =	swait.ge [sflag:s4], $0x0  }
0x19: {  	s7 =	sld [smem:$0x3F9F]  }
0x1a: {  	s8 =	sadd.s32 $0xFFFFE003, lr  }
0x1b: {  	s9 =	sadd.s32 $0xFFFFFEF7, lr;
	s5 =	simm.s32 $0xFFFFFFFF;
	p2 =	slt.u32 s8, $0xFFFFF086  }
0x1c: {  	p1 =	slt.u32 s9, $0xF7A;
	s5 =	simm.s32 @!p2 $0x0  }
0x1d: {  	s5 =	simm.s32 @p1 $0x1;
	p0 =	seq.s32 s7, s2  }
0x1e: {  	s7 =	smul.u32 @!p0 $0xF7A, s2;
	p2 =	seq.s32 @!p0 s5, $0x0  }
0x1f: {  	s9 =	smul.u32 $0xF7A, s1;
	s8 =	simm.s32 @!p0 $0x1BF5;
	p2 =	por !p2, p0  }
0x20: {  	[sflag:s8] =	ssyncset.s32 @!p0 $0xFFFFF086;
	s6 =	sadd.s32 @!p0 s3, s7;
	s7 =	simm.s32 @!p0 $0x108  }
0x21: {  	s3 =	sadd.s32 s3, s9;
	s6 =	sadd.s32 @!p0 $0x88, s6;
	s7 =	simm.s32 @p2 $0x1082  }
0x22: {  	[simem:s7], [sflag:s8] =	dma.local @!p0 [hbm:s6], $0xF7A  }
0x23: {  	s9 =	sor.u32 $0xD0000000, s2;
	s6 =	simm.s32 $0x108;
	_ =	swait.ge @!p0 [sflag:s8], $0x0  }
0x24: {  	s3 =	sadd.s32 $0x88, s3;
	s6 =	simm.s32 @!p1 $0x1082;
	[sflag:s4] =	ssyncset.s32 $0xFFFFF086  }
0x25: {  	[simem:s6], [sflag:s4] =	dma.local [hbm:s3], $0xF7A  }
0x26: {  	[smem:$0x3F9F] =	sst s1;
	(tag) =	ssettag s2;
	_ =	strace s9  }
0x27: {  	s1 =	sld [smem:$0x3FAF]  }
0x28: {  	s2 =	sld [smem:$0x3FB0]  }
0x29: {  	s4 =	sld [smem:$0x3FB2]  }
0x2a: {  	p0 =	seq.s32 s5, $0x0;
	s5 =	sld [smem:$0x3FB3]  }
0x2b: {  	s6 =	sld [smem:$0x3FB4]  }
0x2c: {  	s7 =	sld [smem:$0x3FB5]  }
0x2d: {  	s3 =	simm.s32 $0x108;
	s8 =	sld [smem:$0x3FB6]  }
0x2e: {  	s3 =	simm.s32 @!p0 $0x1082;
	s9 =	sld [smem:$0x3FB7]  }
0x2f: {  	lr =	sadd.s32 s0, s3;
	s0 =	sld [smem:$0x3FAE]  }
0x30: {  	s3 =	sld [smem:$0x3FB1]  }
0x31: {  	[smem:$0x3FBA] =	sst s10  }
0x32: {  	s10 =	sld [smem:$0x3FB8];
	_ =	sdelay $0x3  }
0x33: {  	p0 =	seq.s32 s10, $0x1;
	s10 =	sld [smem:$0x3FBA];
	_ =	sdelay $0x3  }
0x34: {  	[smem:$0x3FBA] =	sst s10  }
0x35: {  	s10 =	sld [smem:$0x3FB9];
	_ =	sdelay $0x3  }
0x36: {  	p1 =	seq.s32 s10, $0x1;
	s10 =	sld [smem:$0x3FBA];
	_ =	sdelay $0x3  }
0x37: {  	[smem:$0x3FBA] =	sst s10  }
0x38: {  	s10 =	sld [smem:$0x3FBB]  }
0x39: {  	_ = 	snop;
	(pc) =	sbr.ind lr, $3  }
0x3a: {  	_ = 	snop  }
0x3b: {  	_ = 	snop  }
0x3c: {  	p2 =	seq.s32 s10, $0x1;
	s10 =	sld [smem:$0x3FBA]  }
0x3d: {  	_ =	shalt  }
0x3e: {  	_ =	shalt  }
0x3f: {  	_ =	shalt  }
0x40: {  	_ =	shalt  }
0x41: {  	_ =	shalt  }
0x42: {  	_ =	shalt  }
0x43: {  	_ =	shalt  }
0x44: {  	_ =	shalt  }
0x45: {  	_ =	shalt  }
0x46: {  	_ =	shalt  }
0x47: {  	_ =	shalt  }
0x48: {  	_ =	shalt  }
0x49: {  	_ =	shalt  }
0x4a: {  	_ =	shalt  }
0x4b: {  	_ =	shalt  }
0x4c: {  	_ =	shalt  }
0x4d: {  	_ =	shalt  }
0x4e: {  	_ =	shalt  }
0x4f: {  	_ =	shalt  }
0x50: {  	_ =	shalt  }
0x51: {  	_ =	shalt  }
0x52: {  	_ =	shalt  }
0x53: {  	_ =	shalt  }
0x54: {  	_ =	shalt  }
0x55: {  	_ =	shalt  }
0x56: {  	_ =	shalt  }
0x57: {  	_ =	shalt  }
0x58: {  	_ =	shalt  }
0x59: {  	_ =	shalt  }
0x5a: {  	_ =	shalt  }
0x5b: {  	_ =	shalt  }
0x5c: {  	_ =	shalt  }
0x5d: {  	_ =	shalt  }
0x5e: {  	_ =	shalt  }
0x5f: {  	_ =	shalt  }
0x60: {  	_ =	shalt  }
0x61: {  	_ =	shalt  }
0x62: {  	_ =	shalt  }
0x63: {  	_ =	shalt  }
0x64: {  	_ =	shalt  }
0x65: {  	_ =	shalt  }
0x66: {  	_ =	shalt  }
0x67: {  	_ =	shalt  }
0x68: {  	_ =	shalt  }
0x69: {  	_ =	shalt  }
0x6a: {  	_ =	shalt  }
0x6b: {  	_ =	shalt  }
0x6c: {  	_ =	shalt  }
0x6d: {  	_ =	shalt  }
0x6e: {  	_ =	shalt  }
0x6f: {  	_ =	shalt  }
0x70: {  	_ =	shalt  }
0x71: {  	_ =	shalt  }
0x72: {  	_ =	shalt  }
0x73: {  	_ =	shalt  }
0x74: {  	_ =	shalt  }
0x75: {  	_ =	shalt  }
0x76: {  	_ =	shalt  }
0x77: {  	_ =	shalt  }
0x78: {  	_ =	shalt  }
0x79: {  	_ =	shalt  }
0x7a: {  	_ =	shalt  }
0x7b: {  	_ =	shalt  }
0x7c: {  	_ =	shalt  }
0x7d: {  	_ =	shalt  }
0x7e: {  	_ =	shalt  }
0x7f: {  	_ =	shalt  }
0x80: {  	_ =	shalt  }
0x81: {  	_ =	shalt  }
0x82: {  	_ =	shalt  }
0x83: {  	_ =	shalt  }
0x84: {  	_ =	shalt  }
0x85: {  	_ =	shalt  }
0x86: {  	_ =	shalt  }
0x87: {  	_ =	shalt  }
.Lfunc_end0:
.L_simem_size_0:
called_computation.1_lowered:
.L_overlay_start_0:
0x88: {  	s2 =	sld [smem:$0x3FD9]  }
0x89: {  	s3 =	sld [smem:$0x3FFE];
	_ =	sdelay $0x1  }
0x8a: {  	s1 =	srdreg.scid  }
0x8b: {  	s0 =	sand.u32 $0x1, s1  }
0x8c: {  	s17 =	sshll.u32 s0, $0xA;
	s2 =	sadd.s32 s3, s2  }
0x8d: {  	s2 =	sadd.s32 s2, s17  }
0x8e: {  	[smem:$0x3FC6] =	sst s2  }
0x8f: {  	_ = 	snop  }
0x90: {  	s2 =	sld [smem:$0x3FD0];
	(tm) =	ssettm $0x1  }
0x91: {  	s18 =	sld [smem:$0x3FFB];
	_ =	sdelay $0x3  }
0x92: {  	_ =	strace s18  }
0x93: {  	s3 =	sld [smem:$0x3FFC];
	_ =	sdelay $0x3  }
0x94: {  	_ =	strace s3  }
0x95: {  	s3 =	sld [smem:$0x3FFD];
	_ =	sdelay $0x3  }
0x96: {  	_ =	strace s3  }
0x97: {  	_ =	strace $0x8FFFFFFF  }
0x98: {  	s19 =	sld [smem:$0x3FDB];
	_ =	sdelay $0x1  }
0x99: {  	s4 =	simm.s32 $_scs_section_size  }
0x9a: {  	s5 =	simm.s32 $_size__tile_overlayer_lowered;
	s6 =	simm.s32 $_tile_overlayer_lowered  }
0x9b: {  	s22 =	simm.s32 $0x1BFF;
	s21 =	sshll.u32 s6, $0x1;
	s3 =	sadd.s32 s4, s19  }
0x9c: {  	s7 =	simm.s32 $0x0;
	s20 =	sshll.u32 s5, $0x1;
	s5 =	sadd.s32 s21, s3  }
0x9d: {  	[timem:s7], [sflag:s22] =	dma.local [hbm:s5], s20  }
0x9e: {  	_ =	swait.ge [sflag:s22], s20  }
0x9f: {  	s4 =	ssub.s32 $0x0, s20;
	[sflag:s22] =	ssyncset.done $0x0  }
0xa0: {  	[sflag:s22] =	ssyncadd.s32 s4;
	_ =	sdelay $0x1  }
0xa1: {  	s23 =	simm.s32 $0x1B8B  }
0xa2: {  	_ =	swait.ge [sflag:s23], $0x1  }
0xa3: {  	[sflag:s23] =	ssyncset.done $0x0  }
0xa4: {  	s25 =	simm.s32 $0x1B8E;
	s24 =	sld [smem:$0x3FFE];
	[sflag:s23] =	ssyncadd.s32 $0xFFFFFFFF  }
0xa5: {  	s26 =	simm.s32 $execute0_lowered;
	[smem:$0x3FD2] =	sst s25  }
0xa6: {  	s5 =	sshll.u32 s26, $0x1;
	_ =	strace $0x80000046;
	[dreg:$0x1] =	wrdreg $0xFFFFFFFF  }
0xa7: {  	s28 =	simm.s32 $_size_execute0_lowered;
	s3 =	sadd.s32 s3, s5;
	[dreg:$0x0] =	wrdreg $0x0  }
0xa8: {  	s5 =	sshll.u32 s28, $0x1;
	[dreg:$0x2] =	wrdreg s3  }
0xa9: {  	[dreg:$0x3] =	wrdreg s5  }
0xaa: {  	[dreg:$0x4] =	wrdreg $0xC0  }
0xab: {  	_ =	task [dreg:s7], $0x5FFFF  }
0xac: {  	[dreg:$0x1] =	wrdreg $0xFFFFFFFF  }
0xad: {  	[dreg:$0x0] =	wrdreg $0x60  }
0xae: {  	[dreg:$0x2] =	wrdreg s2  }
0xaf: {  	[dreg:$0x3] =	wrdreg s24  }
0xb0: {  	[dreg:$0x4] =	wrdreg $0x9  }
0xb1: {  	_ =	task.clear_ibuf [dreg:s7], $0x5FFFF;
	_ =	strace $0x90000046  }
0xb2: {  	s29 =	simm.s32 $0x9;
	_ =	strace $0x80000048  }
0xb3: {  	_ =	swait.ge [sflag:s29], $0x1  }
0xb4: {  	[sflag:s29] =	ssyncadd.s32 $0xFFFFFFFF  }
0xb5: {  	_ =	strace $0x90000048  }
0xb6: {  	_ =	sfence  }
0xb7: {  	s30 =	sld [smem:$0x0];
	_ =	sdelay $0x2  }
0xb8: {  	s31 =	sshll.u32 s1, $0xD;
	s1 =	sshrl.u32 s1, $0x2  }
0xb9: {  	s3 =	sand.u32 $0x4000, s31;
	s1 =	sadd.s32 s1, s30  }
0xba: {  	s0 =	sor.u32 s3, s0;
	s1 =	sshll.u32 s1, $0x11  }
0xbb: {  	s0 =	sor.u32 s1, s0  }
0xbc: {  	s0 =	sadd.s32 $0x8F2B, s0  }
0xbd: {  	[sflag:s0] =	ssyncadd.remote.s32 $0x1  }
0xbe: {  	_ =	sfence.sel $0xFFFF  }
0xbf: {  	[dreg:$0x0] =	wrdreg $0xFFFFFFFF;
	(pc) =	sbr.abs _section_cstart, $3  }
0xc0: {  	[dreg:$0x1] =	wrdreg $0xFFFFFFFF  }
0xc1: {  	_ =	task.clear_ibuf [dreg:s7], $0x2FFFF;
	_ =	strace $0x9FFFFFFF  }
0xc2: {  	(tm) =	ssettm $0x7FFFFFFF  }
0xc3: {  	_ =	shalt  }
tec
execute0_lowered:
.L_overlay_start_1:
0x0: {  	(tag) =	ssettag $0x1  }
0x1: {  	s6 =	rddreg [dreg:$0x0];
	s1 =	srdreg.scid  }
0x2: {  	s0 =	stileid.u32;
	s5 =	rddreg [dreg:$0x1];
	s2 =	simm.s32 $0x0  }
0x3: {  	s10 =	simm.s32 $0x80;
	s11 =	simm.s32 $0x6400;
	s12 =	simm.s32 $0xA400  }
0x4: {  	s13 =	simm.s32 $0x1;
	s14 =	simm.s32 $0xE400;
	s15 =	simm.s32 $0x2  }
0x5: {  	s16 =	simm.s32 $0x12400;
	s17 =	simm.s32 $0x3;
	s18 =	simm.s32 $0x4  }
0x6: {  	s4 =	sand.u32 $0x1, s1;
	s3 =	sshll.u32 s0, $0x1;
	s1 =	rddreg [dreg:$0x2]  }
0x7: {  	s19 =	simm.s32 $0x0;
	[smem:$0x7FF] =	sst s2;
	s7 =	sor.u32 s4, s3  }
0x8: {  	_ =	strace $0x80000047;
	s8 =	ssub.s32 $0x2, s4;
	s3 =	smul.u32 $0xC8, s7  }
0x9: {  	s4 =	sadd.s32 $0x800, s5;
	s7 =	smul.u32 $0xC80, s7;
	s9 =	sshrl.u32 s8, $0x1  }
0xa: {  	s5 =	sadd.s32 $0xF42C00, s5;
	s8 =	ssub.s32 s8, s9;
	s9 =	simm.s32 $0x5  }
0xb: {  	s6 =	sadd.s32 s6, s7;
	s7 =	sor.u32 $0x1, s3;
	s8 =	smax.u32 s8, $0x1  }
.LBB2_1:
0xc: {  	[tilespmem:s2], [sflag:$0x5] =	stream.linear.gather [hbm4b:s6+s2], $0x6400, $0x38;
	[tilespmem:$0x16400] =	vst v63  }
0xd: {  	_ =	swait.ge [sflag:s9], $0x6400  }
0xe: {  	[sflag:s9] =	ssyncset.done $0x0  }
0xf: {  	[sflag:s9] =	ssyncadd.s32 $0xFFFF9C00  }
0x10: {  	[tilespmem:s11], [sflag:$0x1] =	stream.indirect.gather [hbm4b:s4+s10], $0x80, s2, s10, $0xb8;
	[tilespmem:$0x16400] =	vst v63  }
0x11: {  	s20 =	simm.s32 $0x0  }
0x12: {  	[tilespmem:s12], [sflag:$0x2] =	stream.indirect.gather [hbm4b:s4+s10], $0x80, s10, s10, $0xb8;
	[tilespmem:$0x16400] =	vst v63  }
.LBB2_2:
0x13: {  	_ =	swait.ge [sflag:s13], $0x4000  }
0x14: {  	p0 =	seq.s32 s20, $0x0;
	[sflag:s13] =	ssyncset.done $0x0  }
0x15: {  	s21 =	simm.s32 @!p0 $0x3;
	[sflag:s13] =	ssyncadd.s32 $0xFFFFC000  }
0x16: {  	_ =	swait.ge @!p0 [sflag:s21], $0x4000  }
0x17: {  	[sflag:s21] =	ssyncset.done @!p0 $0x0  }
0x18: {  	s22 =	simm.s32 $0x0;
	[sflag:s21] =	ssyncadd.s32 @!p0 $0xFFFFC000  }
0x19: {  	v0 =	vld [tilespmem:s22+$0x67B0]  }
0x1a: {  	v1 =	vld [tilespmem:s22+$0x6400]  }
0x1b: {  	v2 =	vld [tilespmem:s22+$0x6410]  }
0x1c: {  	v3 =	vld [tilespmem:s22+$0x6420]  }
0x1d: {  	v4 =	vld [tilespmem:s22+$0x6430]  }
0x1e: {  	v5 =	vld [tilespmem:s22+$0x6480];
	[tilespmem:s22+$0xE7B0] =	vst v0  }
0x1f: {  	[tilespmem:s22+$0xE400] =	vst v1;
	v0 =	vld [tilespmem:s22+$0x6490]  }
0x20: {  	[tilespmem:s22+$0xE410] =	vst v2;
	v1 =	vld [tilespmem:s22+$0x64A0]  }
0x21: {  	[tilespmem:s22+$0xE420] =	vst v3;
	v2 =	vld [tilespmem:s22+$0x64B0]  }
0x22: {  	[tilespmem:s22+$0xE430] =	vst v4;
	v3 =	vld [tilespmem:s22+$0x6500]  }
0x23: {  	[tilespmem:s22+$0xE480] =	vst v5;
	v4 =	vld [tilespmem:s22+$0x6510]  }
0x24: {  	v5 =	vld [tilespmem:s22+$0x6710];
	[tilespmem:s22+$0xE490] =	vst v0  }
0x25: {  	v0 =	vld [tilespmem:s22+$0x6520];
	[tilespmem:s22+$0xE4A0] =	vst v1  }
0x26: {  	v1 =	vld [tilespmem:s22+$0x6530];
	[tilespmem:s22+$0xE4B0] =	vst v2  }
0x27: {  	v2 =	vld [tilespmem:s22+$0x6580];
	[tilespmem:s22+$0xE500] =	vst v3  }
0x28: {  	v3 =	vld [tilespmem:s22+$0x6590];
	[tilespmem:s22+$0xE510] =	vst v4  }
0x29: {  	v4 =	vld [tilespmem:s22+$0x65A0];
	[tilespmem:s22+$0xE710] =	vst v5  }
0x2a: {  	[tilespmem:s22+$0xE520] =	vst v0;
	v0 =	vld [tilespmem:s22+$0x65B0]  }
0x2b: {  	[tilespmem:s22+$0xE530] =	vst v1;
	v1 =	vld [tilespmem:s22+$0x6600]  }
0x2c: {  	[tilespmem:s22+$0xE580] =	vst v2;
	v2 =	vld [tilespmem:s22+$0x6610]  }
0x2d: {  	[tilespmem:s22+$0xE590] =	vst v3;
	v3 =	vld [tilespmem:s22+$0x6620]  }
0x2e: {  	[tilespmem:s22+$0xE5A0] =	vst v4;
	v4 =	vld [tilespmem:s22+$0x6630]  }
0x2f: {  	[tilespmem:s22+$0xE5B0] =	vst v0;
	v0 =	vld [tilespmem:s22+$0x6680]  }
0x30: {  	[tilespmem:s22+$0xE600] =	vst v1;
	v1 =	vld [tilespmem:s22+$0x6690]  }
0x31: {  	[tilespmem:s22+$0xE610] =	vst v2;
	v2 =	vld [tilespmem:s22+$0x66A0]  }
0x32: {  	[tilespmem:s22+$0xE620] =	vst v3;
	v3 =	vld [tilespmem:s22+$0x66B0]  }
0x33: {  	[tilespmem:s22+$0xE630] =	vst v4;
	v4 =	vld [tilespmem:s22+$0x6700]  }
0x34: {  	[tilespmem:s22+$0xE680] =	vst v0;
	v0 =	vld [tilespmem:s22+$0x6720]  }
0x35: {  	[tilespmem:s22+$0xE690] =	vst v1;
	v1 =	vld [tilespmem:s22+$0x6730]  }
0x36: {  	[tilespmem:s22+$0xE6A0] =	vst v2;
	v2 =	vld [tilespmem:s22+$0x6780]  }
0x37: {  	[tilespmem:s22+$0xE6B0] =	vst v3;
	v3 =	vld [tilespmem:s22+$0x6790]  }
0x38: {  	s24 =	simm.s32 $0x400;
	s23 =	simm.s32 $0x2000;
	s21 =	sshll.u32 s20, $0x1;
	[tilespmem:s22+$0xE700] =	vst v4;
	v4 =	vld [tilespmem:s22+$0x67A0]  }
.LBB2_3:
0x39: {  	p1 =	sne.s32 s23, $0xF000;
	v5 =	vld [tilespmem:s24+$0x67B0];
	[tilespmem:s22+$0xE720] =	vst v0  }
0x3a: {  	v0 =	vld [tilespmem:s24+$0x6400];
	[tilespmem:s22+$0xE730] =	vst v1  }
0x3b: {  	v1 =	vld [tilespmem:s24+$0x6410];
	[tilespmem:s22+$0xE780] =	vst v2  }
0x3c: {  	v2 =	vld [tilespmem:s24+$0x6420];
	[tilespmem:s22+$0xE790] =	vst v3  }
0x3d: {  	v3 =	vld [tilespmem:s24+$0x6430];
	[tilespmem:s22+$0xE7A0] =	vst v4;
	s22 =	smov.u32 s24  }
0x3e: {  	v4 =	vld [tilespmem:s22+$0x6480];
	[tilespmem:s22+$0xE7B0] =	vst v5  }
0x3f: {  	[tilespmem:s22+$0xE400] =	vst v0;
	v0 =	vld [tilespmem:s22+$0x6490]  }
0x40: {  	[tilespmem:s22+$0xE410] =	vst v1;
	v1 =	vld [tilespmem:s22+$0x64A0]  }
0x41: {  	[tilespmem:s22+$0xE420] =	vst v2;
	v2 =	vld [tilespmem:s22+$0x64B0]  }
0x42: {  	[tilespmem:s22+$0xE430] =	vst v3;
	v3 =	vld [tilespmem:s22+$0x6500]  }
0x43: {  	[tilespmem:s22+$0xE480] =	vst v4;
	v4 =	vld [tilespmem:s22+$0x6510]  }
0x44: {  	[tilespmem:s22+$0xE490] =	vst v0;
	v0 =	vld [tilespmem:s22+$0x6520]  }
0x45: {  	[tilespmem:s22+$0xE4A0] =	vst v1;
	v1 =	vld [tilespmem:s22+$0x6530]  }
0x46: {  	[tilespmem:s22+$0xE4B0] =	vst v2;
	v2 =	vld [tilespmem:s22+$0x6580]  }
0x47: {  	[tilespmem:s22+$0xE500] =	vst v3;
	v3 =	vld [tilespmem:s22+$0x6590]  }
0x48: {  	[tilespmem:s22+$0xE510] =	vst v4;
	v4 =	vld [tilespmem:s22+$0x65A0]  }
0x49: {  	[tilespmem:s22+$0xE520] =	vst v0;
	v0 =	vld [tilespmem:s22+$0x65B0]  }
0x4a: {  	[tilespmem:s22+$0xE530] =	vst v1;
	v1 =	vld [tilespmem:s22+$0x6600]  }
0x4b: {  	[tilespmem:s22+$0xE580] =	vst v2;
	v2 =	vld [tilespmem:s22+$0x6610]  }
0x4c: {  	[tilespmem:s22+$0xE590] =	vst v3;
	v3 =	vld [tilespmem:s22+$0x6620]  }
0x4d: {  	[tilespmem:s22+$0xE5A0] =	vst v4;
	v4 =	vld [tilespmem:s22+$0x6630]  }
0x4e: {  	[tilespmem:s22+$0xE5B0] =	vst v0;
	v0 =	vld [tilespmem:s22+$0x6680]  }
0x4f: {  	[tilespmem:s22+$0xE600] =	vst v1;
	v1 =	vld [tilespmem:s22+$0x6690]  }
0x50: {  	[tilespmem:s22+$0xE610] =	vst v2;
	v2 =	vld [tilespmem:s22+$0x66A0]  }
0x51: {  	[tilespmem:s22+$0xE620] =	vst v3;
	v3 =	vld [tilespmem:s22+$0x66B0]  }
0x52: {  	[tilespmem:s22+$0xE630] =	vst v4;
	v4 =	vld [tilespmem:s22+$0x6700]  }
0x53: {  	[tilespmem:s22+$0xE680] =	vst v0;
	v5 =	vld [tilespmem:s22+$0x6710]  }
.Ltmp0:
0x54: {  	[tilespmem:s22+$0xE690] =	vst v1;
	v0 =	vld [tilespmem:s22+$0x6720];
	(pc) =	sbr.rel @p1 .LBB2_3-.Ltmp0, $4  }
0x55: {  	[tilespmem:s22+$0xE6A0] =	vst v2;
	v1 =	vld [tilespmem:s22+$0x6730]  }
0x56: {  	[tilespmem:s22+$0xE6B0] =	vst v3;
	v2 =	vld [tilespmem:s22+$0x6780]  }
0x57: {  	[tilespmem:s22+$0xE700] =	vst v4;
	v3 =	vld [tilespmem:s22+$0x6790]  }
0x58: {  	s24 =	sshra.s32 s23, $0x2;
	s23 =	sadd.s32 $0x1000, s23;
	[tilespmem:s22+$0xE710] =	vst v5;
	v4 =	vld [tilespmem:s22+$0x67A0]  }
0x59: {  	v5 =	vld [tilespmem:s24+$0x67B0];
	[tilespmem:s22+$0xE720] =	vst v0  }
0x5a: {  	v0 =	vld [tilespmem:s24+$0x6400];
	[tilespmem:s22+$0xE730] =	vst v1  }
0x5b: {  	v1 =	vld [tilespmem:s24+$0x6410];
	[tilespmem:s22+$0xE780] =	vst v2  }
0x5c: {  	v2 =	vld [tilespmem:s24+$0x6420];
	[tilespmem:s22+$0xE790] =	vst v3  }
0x5d: {  	v3 =	vld [tilespmem:s24+$0x6430];
	[tilespmem:s22+$0xE7A0] =	vst v4  }
0x5e: {  	v4 =	vld [tilespmem:s24+$0x6480];
	[tilespmem:s24+$0xE7B0] =	vst v5  }
0x5f: {  	[tilespmem:s24+$0xE400] =	vst v0;
	v0 =	vld [tilespmem:s24+$0x6490]  }
0x60: {  	[tilespmem:s24+$0xE410] =	vst v1;
	v1 =	vld [tilespmem:s24+$0x64A0]  }
0x61: {  	[tilespmem:s24+$0xE420] =	vst v2;
	v2 =	vld [tilespmem:s24+$0x64B0]  }
0x62: {  	[tilespmem:s24+$0xE430] =	vst v3;
	v3 =	vld [tilespmem:s24+$0x6500]  }
0x63: {  	[tilespmem:s24+$0xE480] =	vst v4;
	v4 =	vld [tilespmem:s24+$0x6510]  }
0x64: {  	[tilespmem:s24+$0xE490] =	vst v0;
	v0 =	vld [tilespmem:s24+$0x6520]  }
0x65: {  	[tilespmem:s24+$0xE4A0] =	vst v1;
	v1 =	vld [tilespmem:s24+$0x6530]  }
0x66: {  	[tilespmem:s24+$0xE4B0] =	vst v2;
	v2 =	vld [tilespmem:s24+$0x6580]  }
0x67: {  	[tilespmem:s24+$0xE500] =	vst v3;
	v3 =	vld [tilespmem:s24+$0x6590]  }
0x68: {  	[tilespmem:s24+$0xE510] =	vst v4;
	v4 =	vld [tilespmem:s24+$0x65A0]  }
0x69: {  	[tilespmem:s24+$0xE520] =	vst v0;
	v0 =	vld [tilespmem:s24+$0x65B0]  }
0x6a: {  	[tilespmem:s24+$0xE530] =	vst v1;
	v1 =	vld [tilespmem:s24+$0x6600]  }
0x6b: {  	[tilespmem:s24+$0xE580] =	vst v2;
	v2 =	vld [tilespmem:s24+$0x6610]  }
0x6c: {  	[tilespmem:s24+$0xE590] =	vst v3;
	v3 =	vld [tilespmem:s24+$0x6620]  }
0x6d: {  	[tilespmem:s24+$0xE5A0] =	vst v4;
	v4 =	vld [tilespmem:s24+$0x6630]  }
0x6e: {  	[tilespmem:s24+$0xE5B0] =	vst v0;
	v0 =	vld [tilespmem:s24+$0x6680]  }
0x6f: {  	[tilespmem:s24+$0xE600] =	vst v1;
	v1 =	vld [tilespmem:s24+$0x6690]  }
0x70: {  	[tilespmem:s24+$0xE610] =	vst v2;
	v2 =	vld [tilespmem:s24+$0x66A0]  }
0x71: {  	[tilespmem:s24+$0xE620] =	vst v3;
	v3 =	vld [tilespmem:s24+$0x66B0]  }
0x72: {  	[tilespmem:s24+$0xE630] =	vst v4;
	v4 =	vld [tilespmem:s24+$0x6700]  }
0x73: {  	[tilespmem:s24+$0xE680] =	vst v0;
	v0 =	vld [tilespmem:s24+$0x6710]  }
0x74: {  	[tilespmem:s24+$0xE690] =	vst v1;
	v1 =	vld [tilespmem:s24+$0x6720]  }
0x75: {  	[tilespmem:s24+$0xE6A0] =	vst v2;
	v2 =	vld [tilespmem:s24+$0x6730]  }
0x76: {  	[tilespmem:s24+$0xE6B0] =	vst v3;
	v3 =	vld [tilespmem:s24+$0x6780]  }
0x77: {  	[tilespmem:s24+$0xE700] =	vst v4;
	v4 =	vld [tilespmem:s24+$0x6790]  }
0x78: {  	[tilespmem:s24+$0xE710] =	vst v0;
	v0 =	vld [tilespmem:s24+$0x67A0]  }
0x79: {  	[tilespmem:s24+$0xE720] =	vst v1  }
0x7a: {  	p1 =	seq.s32 s20, $0x63;
	[tilespmem:s24+$0xE730] =	vst v2  }
0x7b: {  	s22 =	sshll.u32 @!p1 s20, $0x8;
	[tilespmem:s24+$0xE780] =	vst v3  }
0x7c: {  	s31 =	sadd.s32 s3, s21;
	s22 =	sand.u32 @!p1 $0x3FFFFF00, s22;
	[tilespmem:s24+$0xE790] =	vst v4  }
0x7d: {  	s25 =	simm.s32 @!p1 $0x6400;
	s23 =	sadd.s32 @!p1 $0x100, s22;
	[tilespmem:s24+$0xE7A0] =	vst v0;
	s24 =	simm.s32 @!p1 $0x80  }
0x7e: {  	[tilespmem:s25], [sflag:$0x1] =	stream.indirect.gather @!p1 [hbm4b:s4+s24], $0x80, s23, s24, $0xb8;
	[tilespmem:$0x16400] =	vst v63  }
0x7f: {  	s23 =	sshll.u32 s31, $0xB  }
0x80: {  	s23 =	sadd.s32 s5, s23  }
0x81: {  	[hbm4b:s23+s2] =	stream.linear.scatter [tilespmem:s14], [sflag:$0x3], $0x4000, $0x38;
	[tilespmem:$0x16400] =	vst v63  }
0x82: {  	_ =	swait.ge [sflag:s15], $0x4000  }
0x83: {  	[sflag:s15] =	ssyncset.done $0x0  }
0x84: {  	s23 =	simm.s32 @!p0 $0x4;
	[sflag:s15] =	ssyncadd.s32 $0xFFFFC000  }
0x85: {  	_ =	swait.ge @!p0 [sflag:s23], $0x4000  }
0x86: {  	[sflag:s23] =	ssyncset.done @!p0 $0x0  }
0x87: {  	[sflag:s23] =	ssyncadd.s32 @!p0 $0xFFFFC000;
	s23 =	simm.s32 $0x0  }
0x88: {  	v0 =	vld [tilespmem:s23+$0xA7B0]  }
0x89: {  	v1 =	vld [tilespmem:s23+$0xA400]  }
0x8a: {  	v2 =	vld [tilespmem:s23+$0xA410]  }
0x8b: {  	v3 =	vld [tilespmem:s23+$0xA420]  }
0x8c: {  	v4 =	vld [tilespmem:s23+$0xA430]  }
0x8d: {  	v5 =	vld [tilespmem:s23+$0xA480];
	[tilespmem:s23+$0x127B0] =	vst v0  }
0x8e: {  	[tilespmem:s23+$0x12400] =	vst v1;
	v0 =	vld [tilespmem:s23+$0xA490]  }
0x8f: {  	[tilespmem:s23+$0x12410] =	vst v2;
	v1 =	vld [tilespmem:s23+$0xA4A0]  }
0x90: {  	[tilespmem:s23+$0x12420] =	vst v3;
	v2 =	vld [tilespmem:s23+$0xA4B0]  }
0x91: {  	[tilespmem:s23+$0x12430] =	vst v4;
	v3 =	vld [tilespmem:s23+$0xA500]  }
0x92: {  	[tilespmem:s23+$0x12480] =	vst v5;
	v4 =	vld [tilespmem:s23+$0xA510]  }
0x93: {  	v5 =	vld [tilespmem:s23+$0xA710];
	[tilespmem:s23+$0x12490] =	vst v0  }
0x94: {  	v0 =	vld [tilespmem:s23+$0xA520];
	[tilespmem:s23+$0x124A0] =	vst v1  }
0x95: {  	v1 =	vld [tilespmem:s23+$0xA530];
	[tilespmem:s23+$0x124B0] =	vst v2  }
0x96: {  	v2 =	vld [tilespmem:s23+$0xA580];
	[tilespmem:s23+$0x12500] =	vst v3  }
0x97: {  	v3 =	vld [tilespmem:s23+$0xA590];
	[tilespmem:s23+$0x12510] =	vst v4  }
0x98: {  	v4 =	vld [tilespmem:s23+$0xA5A0];
	[tilespmem:s23+$0x12710] =	vst v5  }
0x99: {  	[tilespmem:s23+$0x12520] =	vst v0;
	v0 =	vld [tilespmem:s23+$0xA5B0]  }
0x9a: {  	[tilespmem:s23+$0x12530] =	vst v1;
	v1 =	vld [tilespmem:s23+$0xA600]  }
0x9b: {  	[tilespmem:s23+$0x12580] =	vst v2;
	v2 =	vld [tilespmem:s23+$0xA610]  }
0x9c: {  	[tilespmem:s23+$0x12590] =	vst v3;
	v3 =	vld [tilespmem:s23+$0xA620]  }
0x9d: {  	[tilespmem:s23+$0x125A0] =	vst v4;
	v4 =	vld [tilespmem:s23+$0xA630]  }
0x9e: {  	[tilespmem:s23+$0x125B0] =	vst v0;
	v0 =	vld [tilespmem:s23+$0xA680]  }
0x9f: {  	[tilespmem:s23+$0x12600] =	vst v1;
	v1 =	vld [tilespmem:s23+$0xA690]  }
0xa0: {  	[tilespmem:s23+$0x12610] =	vst v2;
	v2 =	vld [tilespmem:s23+$0xA6A0]  }
0xa1: {  	[tilespmem:s23+$0x12620] =	vst v3;
	v3 =	vld [tilespmem:s23+$0xA6B0]  }
0xa2: {  	[tilespmem:s23+$0x12630] =	vst v4;
	v4 =	vld [tilespmem:s23+$0xA700]  }
0xa3: {  	[tilespmem:s23+$0x12680] =	vst v0;
	v0 =	vld [tilespmem:s23+$0xA720]  }
0xa4: {  	[tilespmem:s23+$0x12690] =	vst v1;
	v1 =	vld [tilespmem:s23+$0xA730]  }
0xa5: {  	[tilespmem:s23+$0x126A0] =	vst v2;
	v2 =	vld [tilespmem:s23+$0xA780]  }
0xa6: {  	[tilespmem:s23+$0x126B0] =	vst v3;
	v3 =	vld [tilespmem:s23+$0xA790]  }
0xa7: {  	s25 =	simm.s32 $0x400;
	s24 =	simm.s32 $0x2000;
	[tilespmem:s23+$0x12700] =	vst v4;
	v4 =	vld [tilespmem:s23+$0xA7A0]  }
.LBB2_5:
0xa8: {  	p0 =	sne.s32 s24, $0xF000;
	v5 =	vld [tilespmem:s25+$0xA7B0];
	[tilespmem:s23+$0x12720] =	vst v0  }
0xa9: {  	v0 =	vld [tilespmem:s25+$0xA400];
	[tilespmem:s23+$0x12730] =	vst v1  }
0xaa: {  	v1 =	vld [tilespmem:s25+$0xA410];
	[tilespmem:s23+$0x12780] =	vst v2  }
0xab: {  	v2 =	vld [tilespmem:s25+$0xA420];
	[tilespmem:s23+$0x12790] =	vst v3  }
0xac: {  	v3 =	vld [tilespmem:s25+$0xA430];
	[tilespmem:s23+$0x127A0] =	vst v4;
	s23 =	smov.u32 s25  }
0xad: {  	v4 =	vld [tilespmem:s23+$0xA480];
	[tilespmem:s23+$0x127B0] =	vst v5  }
0xae: {  	[tilespmem:s23+$0x12400] =	vst v0;
	v0 =	vld [tilespmem:s23+$0xA490]  }
0xaf: {  	[tilespmem:s23+$0x12410] =	vst v1;
	v1 =	vld [tilespmem:s23+$0xA4A0]  }
0xb0: {  	[tilespmem:s23+$0x12420] =	vst v2;
	v2 =	vld [tilespmem:s23+$0xA4B0]  }
0xb1: {  	[tilespmem:s23+$0x12430] =	vst v3;
	v3 =	vld [tilespmem:s23+$0xA500]  }
0xb2: {  	[tilespmem:s23+$0x12480] =	vst v4;
	v4 =	vld [tilespmem:s23+$0xA510]  }
0xb3: {  	[tilespmem:s23+$0x12490] =	vst v0;
	v0 =	vld [tilespmem:s23+$0xA520]  }
0xb4: {  	[tilespmem:s23+$0x124A0] =	vst v1;
	v1 =	vld [tilespmem:s23+$0xA530]  }
0xb5: {  	[tilespmem:s23+$0x124B0] =	vst v2;
	v2 =	vld [tilespmem:s23+$0xA580]  }
0xb6: {  	[tilespmem:s23+$0x12500] =	vst v3;
	v3 =	vld [tilespmem:s23+$0xA590]  }
0xb7: {  	[tilespmem:s23+$0x12510] =	vst v4;
	v4 =	vld [tilespmem:s23+$0xA5A0]  }
0xb8: {  	[tilespmem:s23+$0x12520] =	vst v0;
	v0 =	vld [tilespmem:s23+$0xA5B0]  }
0xb9: {  	[tilespmem:s23+$0x12530] =	vst v1;
	v1 =	vld [tilespmem:s23+$0xA600]  }
0xba: {  	[tilespmem:s23+$0x12580] =	vst v2;
	v2 =	vld [tilespmem:s23+$0xA610]  }
0xbb: {  	[tilespmem:s23+$0x12590] =	vst v3;
	v3 =	vld [tilespmem:s23+$0xA620]  }
0xbc: {  	[tilespmem:s23+$0x125A0] =	vst v4;
	v4 =	vld [tilespmem:s23+$0xA630]  }
0xbd: {  	[tilespmem:s23+$0x125B0] =	vst v0;
	v0 =	vld [tilespmem:s23+$0xA680]  }
0xbe: {  	[tilespmem:s23+$0x12600] =	vst v1;
	v1 =	vld [tilespmem:s23+$0xA690]  }
0xbf: {  	[tilespmem:s23+$0x12610] =	vst v2;
	v2 =	vld [tilespmem:s23+$0xA6A0]  }
0xc0: {  	[tilespmem:s23+$0x12620] =	vst v3;
	v3 =	vld [tilespmem:s23+$0xA6B0]  }
0xc1: {  	[tilespmem:s23+$0x12630] =	vst v4;
	v4 =	vld [tilespmem:s23+$0xA700]  }
0xc2: {  	[tilespmem:s23+$0x12680] =	vst v0;
	v5 =	vld [tilespmem:s23+$0xA710]  }
.Ltmp1:
0xc3: {  	[tilespmem:s23+$0x12690] =	vst v1;
	v0 =	vld [tilespmem:s23+$0xA720];
	(pc) =	sbr.rel @p0 .LBB2_5-.Ltmp1, $4  }
0xc4: {  	[tilespmem:s23+$0x126A0] =	vst v2;
	v1 =	vld [tilespmem:s23+$0xA730]  }
0xc5: {  	[tilespmem:s23+$0x126B0] =	vst v3;
	v2 =	vld [tilespmem:s23+$0xA780]  }
0xc6: {  	[tilespmem:s23+$0x12700] =	vst v4;
	v3 =	vld [tilespmem:s23+$0xA790]  }
0xc7: {  	s25 =	sshra.s32 s24, $0x2;
	s24 =	sadd.s32 $0x1000, s24;
	[tilespmem:s23+$0x12710] =	vst v5;
	v4 =	vld [tilespmem:s23+$0xA7A0]  }
0xc8: {  	v5 =	vld [tilespmem:s25+$0xA7B0];
	[tilespmem:s23+$0x12720] =	vst v0  }
0xc9: {  	v0 =	vld [tilespmem:s25+$0xA400];
	[tilespmem:s23+$0x12730] =	vst v1  }
0xca: {  	v1 =	vld [tilespmem:s25+$0xA410];
	[tilespmem:s23+$0x12780] =	vst v2  }
0xcb: {  	v2 =	vld [tilespmem:s25+$0xA420];
	[tilespmem:s23+$0x12790] =	vst v3  }
0xcc: {  	v3 =	vld [tilespmem:s25+$0xA430];
	[tilespmem:s23+$0x127A0] =	vst v4  }
0xcd: {  	v4 =	vld [tilespmem:s25+$0xA480];
	[tilespmem:s25+$0x127B0] =	vst v5  }
0xce: {  	v38 =	vld [tilespmem:s25+$0xA490];
	[tilespmem:s25+$0x12400] =	vst v0  }
0xcf: {  	v39 =	vld [tilespmem:s25+$0xA4A0];
	[tilespmem:s25+$0x12410] =	vst v1  }
0xd0: {  	v40 =	vld [tilespmem:s25+$0xA4B0];
	[tilespmem:s25+$0x12420] =	vst v2  }
0xd1: {  	v41 =	vld [tilespmem:s25+$0xA500];
	[tilespmem:s25+$0x12430] =	vst v3  }
0xd2: {  	v42 =	vld [tilespmem:s25+$0xA510];
	[tilespmem:s25+$0x12480] =	vst v4  }
0xd3: {  	v43 =	vld [tilespmem:s25+$0xA520];
	[tilespmem:s25+$0x12490] =	vst v38  }
0xd4: {  	v44 =	vld [tilespmem:s25+$0xA530];
	[tilespmem:s25+$0x124A0] =	vst v39  }
0xd5: {  	v45 =	vld [tilespmem:s25+$0xA580];
	[tilespmem:s25+$0x124B0] =	vst v40  }
0xd6: {  	v46 =	vld [tilespmem:s25+$0xA590];
	[tilespmem:s25+$0x12500] =	vst v41  }
0xd7: {  	v47 =	vld [tilespmem:s25+$0xA5A0];
	[tilespmem:s25+$0x12510] =	vst v42  }
0xd8: {  	v48 =	vld [tilespmem:s25+$0xA5B0];
	[tilespmem:s25+$0x12520] =	vst v43  }
0xd9: {  	v49 =	vld [tilespmem:s25+$0xA600];
	[tilespmem:s25+$0x12530] =	vst v44  }
0xda: {  	v50 =	vld [tilespmem:s25+$0xA610];
	[tilespmem:s25+$0x12580] =	vst v45  }
0xdb: {  	v51 =	vld [tilespmem:s25+$0xA620];
	[tilespmem:s25+$0x12590] =	vst v46  }
0xdc: {  	v52 =	vld [tilespmem:s25+$0xA630];
	[tilespmem:s25+$0x125A0] =	vst v47  }
0xdd: {  	v53 =	vld [tilespmem:s25+$0xA680];
	[tilespmem:s25+$0x125B0] =	vst v48  }
0xde: {  	v54 =	vld [tilespmem:s25+$0xA690];
	[tilespmem:s25+$0x12600] =	vst v49  }
0xdf: {  	v55 =	vld [tilespmem:s25+$0xA6A0];
	[tilespmem:s25+$0x12610] =	vst v50  }
0xe0: {  	v56 =	vld [tilespmem:s25+$0xA6B0];
	[tilespmem:s25+$0x12620] =	vst v51  }
0xe1: {  	v57 =	vld [tilespmem:s25+$0xA700];
	[tilespmem:s25+$0x12630] =	vst v52  }
0xe2: {  	v58 =	vld [tilespmem:s25+$0xA710];
	[tilespmem:s25+$0x12680] =	vst v53  }
0xe3: {  	v59 =	vld [tilespmem:s25+$0xA720];
	[tilespmem:s25+$0x12690] =	vst v54  }
0xe4: {  	v60 =	vld [tilespmem:s25+$0xA730];
	[tilespmem:s25+$0x126A0] =	vst v55  }
0xe5: {  	v61 =	vld [tilespmem:s25+$0xA780];
	[tilespmem:s25+$0x126B0] =	vst v56  }
0xe6: {  	v62 =	vld [tilespmem:s25+$0xA790];
	[tilespmem:s25+$0x12700] =	vst v57  }
0xe7: {  	v63 =	vld [tilespmem:s25+$0xA7A0];
	[tilespmem:s25+$0x12710] =	vst v58  }
0xe8: {  	[tilespmem:s25+$0x12720] =	vst v59  }
0xe9: {  	s20 =	sadd.s32 $0x1, s20;
	[tilespmem:s25+$0x12730] =	vst v60  }
0xea: {  	s21 =	sadd.s32 s21, s7;
	p0 =	sne.s32 s20, $0x64;
	[tilespmem:s25+$0x12780] =	vst v61  }
.Ltmp2:
0xeb: {  	s22 =	sadd.s32 @!p1 $0x180, s22;
	s21 =	sshll.u32 s21, $0xB;
	[tilespmem:s25+$0x12790] =	vst v62;
	(pc) =	sbr.rel @p0 .LBB2_2-.Ltmp2, $4  }
0xec: {  	s24 =	simm.s32 @!p1 $0xA400;
	s21 =	sand.u32 $0x1FFFF800, s21;
	s23 =	simm.s32 @!p1 $0x80;
	[tilespmem:s25+$0x127A0] =	vst v63  }
0xed: {  	[tilespmem:s24], [sflag:$0x2] =	stream.indirect.gather @!p1 [hbm4b:s4+s23], $0x80, s22, s23, $0xb8;
	[tilespmem:$0x16400] =	vst v63  }
0xee: {  	s21 =	sadd.s32 s5, s21  }
0xef: {  	[hbm4b:s21+s2] =	stream.linear.scatter [tilespmem:s16], [sflag:$0x4], $0x4000, $0x38;
	[tilespmem:$0x16400] =	vst v63  }
0xf0: {  	s19 =	sadd.s32 $0x1, s19  }
0xf1: {  	_ =	swait.ge [sflag:s17], $0x4000;
	p0 =	sne.s32 s19, s8  }
.Ltmp3:
0xf2: {  	[sflag:s17] =	ssyncset.done $0x0;
	(pc) =	sbr.rel @p0 .LBB2_1-.Ltmp3, $4  }
0xf3: {  	[sflag:s17] =	ssyncadd.s32 $0xFFFFC000  }
0xf4: {  	_ =	swait.ge [sflag:s18], $0x4000  }
0xf5: {  	[sflag:s18] =	ssyncset.done $0x0  }
0xf6: {  	[sflag:s18] =	ssyncadd.s32 $0xFFFFC000  }
0xf7: {  	_ =	sfence.sel $0x180000  }
0xf8: {  	[bflag:$0x0] =	sbarrier.arrive $0xFFFF  }
0xf9: {  	p0 =	sne.s32 s0, $0x0;
	_ =	strace $0x90000047  }
0xfa: {  	s0 =	sadd.s32 @!p0 $0x100000, s1;
	[bflag:$0x2] =	sbarrier.arrive $0xFFFF  }
0xfb: {  	[sflag:s0] =	ssyncadd.tile.s32 @!p0 $0x1;
	_ =	shalt  }
.Lfunc_end2:
_tile_overlayer_lowered:
.L_overlay_start_2:
0xfc: {  	(tag) =	ssettag $0x2  }
0xfd: {  	s0 =	rddreg [dreg:$0x0];
	s2 =	stileid.u32  }
0xfe: {  	s1 =	rddreg [dreg:$0x1];
	p0 =	sne.s32 s2, $0x0  }
0xff: {  	s3 =	rddreg [dreg:$0x2];
	[bflag:$0x3] =	sbarrier.arrive $0xFFFF;
	s2 =	simm.s32 @!p0 $0x1C05  }
0x100: {  	[timem:s3], [sflag:s2] =	dma.local @!p0 [hbm:s0], s1  }
0x101: {  	s0 =	simm.s32 @!p0 $0x5  }
0x102: {  	_ =	swait.ge @!p0 [sflag:s0], s1  }
0x103: {  	s1 =	ssub.s32 @!p0 $0x0, s1;
	[sflag:s0] =	ssyncset.done @!p0 $0x0  }
0x104: {  	[sflag:s0] =	ssyncadd.s32 @!p0 s1  }
0x105: {  	[bflag:$0x3] =	sbarrier.arrive $0xFFFF  }
0x106: {  	_ =	shalt  }

// kernel: sparse-core-data-format-call.cloned.1.call-start
scs
called_computation_lowered:
.L_overlay_start_0:
0x0: {  	s2 =	sld [smem:$0x3FD9]  }
0x1: {  	s3 =	sld [smem:$0x3FFE];
	_ =	sdelay $0x1  }
0x2: {  	s1 =	srdreg.scid  }
0x3: {  	s0 =	sand.u32 $0x1, s1  }
0x4: {  	s18 =	sshll.u32 s0, $0xA;
	s2 =	sadd.s32 s3, s2  }
0x5: {  	s2 =	sadd.s32 s2, s18  }
0x6: {  	[smem:$0x3FC6] =	sst s2  }
0x7: {  	_ = 	snop  }
0x8: {  	s2 =	sld [smem:$0x3FD0];
	(tm) =	ssettm $0x1  }
0x9: {  	s19 =	sld [smem:$0x3FFB];
	_ =	sdelay $0x3  }
0xa: {  	_ =	strace s19  }
0xb: {  	s3 =	sld [smem:$0x3FFC];
	_ =	sdelay $0x3  }
0xc: {  	_ =	strace s3  }
0xd: {  	s3 =	sld [smem:$0x3FFD];
	_ =	sdelay $0x3  }
0xe: {  	_ =	strace s3  }
0xf: {  	_ =	strace $0x8FFFFFFF  }
0x10: {  	s20 =	sld [smem:$0x3FDB];
	_ =	sdelay $0x1  }
0x11: {  	s4 =	simm.s32 $_scs_section_size  }
0x12: {  	s5 =	simm.s32 $_size__tile_overlayer_lowered;
	s6 =	simm.s32 $_tile_overlayer_lowered  }
0x13: {  	s23 =	simm.s32 $0x1BFF;
	s22 =	sshll.u32 s6, $0x1;
	s3 =	sadd.s32 s4, s20  }
0x14: {  	s7 =	simm.s32 $0x0;
	s21 =	sshll.u32 s5, $0x1;
	s5 =	sadd.s32 s22, s3  }
0x15: {  	[timem:s7], [sflag:s23] =	dma.local [hbm:s5], s21  }
0x16: {  	_ =	swait.ge [sflag:s23], s21  }
0x17: {  	s4 =	ssub.s32 $0x0, s21;
	[sflag:s23] =	ssyncset.done $0x0  }
0x18: {  	[sflag:s23] =	ssyncadd.s32 s4;
	_ =	sdelay $0x1  }
0x19: {  	s24 =	simm.s32 $0x1B8B  }
0x1a: {  	_ =	swait.ge [sflag:s24], $0x1  }
0x1b: {  	[sflag:s24] =	ssyncset.done $0x0  }
0x1c: {  	s26 =	simm.s32 $0x1B8E;
	s25 =	sld [smem:$0x3FFE];
	[sflag:s24] =	ssyncadd.s32 $0xFFFFFFFF  }
0x1d: {  	s27 =	simm.s32 $execute0_lowered;
	[smem:$0x3FD2] =	sst s26  }
0x1e: {  	s5 =	sshll.u32 s27, $0x1;
	_ =	strace $0x80000049;
	[dreg:$0x1] =	wrdreg $0xFFFFFFFF  }
0x1f: {  	s28 =	simm.s32 $_size_execute0_lowered;
	s3 =	sadd.s32 s3, s5;
	[dreg:$0x0] =	wrdreg $0x0  }
0x20: {  	s5 =	sshll.u32 s28, $0x1;
	[dreg:$0x2] =	wrdreg s3  }
0x21: {  	[dreg:$0x3] =	wrdreg s5  }
0x22: {  	[dreg:$0x4] =	wrdreg $0xC0  }
0x23: {  	_ =	task [dreg:s7], $0x5FFFF  }
0x24: {  	[dreg:$0x1] =	wrdreg $0xFFFFFFFF  }
0x25: {  	[dreg:$0x0] =	wrdreg $0x60  }
0x26: {  	[dreg:$0x2] =	wrdreg s25  }
0x27: {  	[dreg:$0x3] =	wrdreg s2  }
0x28: {  	[dreg:$0x4] =	wrdreg $0x9  }
0x29: {  	_ =	task.clear_ibuf [dreg:s7], $0x5FFFF;
	_ =	strace $0x90000049  }
0x2a: {  	s29 =	simm.s32 $0x9;
	_ =	strace $0x8000004B  }
0x2b: {  	_ =	swait.ge [sflag:s29], $0x1  }
0x2c: {  	[sflag:s29] =	ssyncadd.s32 $0xFFFFFFFF  }
0x2d: {  	_ =	strace $0x9000004B  }
0x2e: {  	_ =	sfence  }
0x2f: {  	s30 =	sld [smem:$0x0];
	_ =	sdelay $0x2  }
0x30: {  	s31 =	sshll.u32 s1, $0xD;
	s1 =	sshrl.u32 s1, $0x2  }
0x31: {  	s3 =	sand.u32 $0x4000, s31;
	s1 =	sadd.s32 s1, s30  }
0x32: {  	s0 =	sor.u32 s3, s0;
	s1 =	sshll.u32 s1, $0x11  }
0x33: {  	s0 =	sor.u32 s1, s0  }
0x34: {  	s0 =	sadd.s32 $0x8F2B, s0  }
0x35: {  	[sflag:s0] =	ssyncadd.remote.s32 $0x1  }
0x36: {  	_ =	sfence.sel $0xFFFF  }
0x37: {  	[dreg:$0x0] =	wrdreg $0xFFFFFFFF;
	(pc) =	sbr.abs _section_cstart, $3  }
0x38: {  	[dreg:$0x1] =	wrdreg $0xFFFFFFFF  }
0x39: {  	_ =	task.clear_ibuf [dreg:s7], $0x2FFFF;
	_ =	strace $0x9FFFFFFF  }
0x3a: {  	(tm) =	ssettm $0x7FFFFFFF  }
0x3b: {  	_ =	shalt  }
tec
execute0_lowered:
.L_overlay_start_1:
0x0: {  	(tag) =	ssettag $0x1  }
0x1: {  	s0 =	srdreg.scid  }
0x2: {  	s1 =	sshll.u32 s0, $0x4  }
0x3: {  	s0 =	stileid.u32;
	s1 =	sand.u32 $0x10, s1  }
0x4: {  	s1 =	sor.u32 s0, s1  }
0x5: {  	s6 =	rddreg [dreg:$0x0];
	s4 =	simm.s32 $0x1;
	s2 =	sshll.u32 s1, $0x7  }
0x6: {  	s7 =	simm.s32 $0x2;
	s12 =	simm.s32 $0x0;
	s1 =	ssub.s32 $0x1000, s2  }
0x7: {  	s8 =	simm.s32 $0x8000;
	s13 =	simm.s32 $0x0;
	s3 =	sand.u32 $0xF80, s1  }
0x8: {  	s9 =	simm.s32 $0x0;
	s5 =	sshrl.u32 s1, $0xC;
	p0 =	sne.s32 s3, $0x0  }
.Ltmp0:
0x9: {  	s1 =	rddreg [dreg:$0x2];
	s4 =	simm.s32 @!p0 $0x0;
	(pc) =	sbr.rel .LBB1_1-.Ltmp0, $4  }
0xa: {  	s11 =	simm.s32 $0x0;
	s3 =	rddreg [dreg:$0x1];
	s5 =	sadd.s32 s4, s5  }
0xb: {  	_ =	strace $0x8000004A;
	s4 =	simm.s32 $0x1;
	s5 =	smul.u32 $0xC8, s5  }
0xc: {  	s6 =	sadd.s32 $0xF42C00, s6;
	s10 =	smov.u32 s2;
	[sflag:s4] =	ssyncpa.u1 $0x0  }
0xd: {  	p0 =	por $0x0, $0x0;
	[sflag:s7] =	ssyncpa.u1 $0x0;
	s7 =	sor.u32 $0x1, s5  }
.LBB1_4:
0xe: {  	s16 =	sshll.u32 s13, $0x3;
	s17 =	sand.u32 $0x78, s13  }
0xf: {  	s30 =	sand.u32 $0x7E00, s13;
	s12 =	sshll.u32 s12, $0xF;
	s16 =	sand.u32 $0xC00, s16  }
0x10: {  	[tilespmem:s15+$0x810 ss:$0x81] =	vst.msk $0xffff, v2;
	s31 =	sand.u32 $0x7, s13;
	s16 =	sor.u32 s17, s16;
	s17 =	sadd.s32 s3, s30  }
0x11: {  	[tilespmem:s15+$0x1020 ss:$0x81] =	vst.msk $0xffff, v0;
	s13 =	sshll.u32 s31, $0x12;
	s12 =	sadd.s32 s12, s17;
	s16 =	sshrl.u32 s16, $0x3  }
0x12: {  	[tilespmem:s15+$0x0 ss:$0x81] =	vst.msk $0xffff, v1;
	s13 =	sor.u32 $0x400, s13;
	s12 =	sadd.s32 s16, s12  }
0x13: {  	[hbm4b:s12+s13] =	stream.strided.scatter [tilespmem:s14], [sflag:$0x2], $0x2000, s8, s13, $0x20;
	[tilespmem:$0x8080] =	vst v63  }
.LBB1_5:
0x14: {  	s14 =	sadd.s32 $0x1, s9  }
0x15: {  	s12 =	sadd.s32 $0x1000, s10;
	s16 =	smov.u32 s10;
	p2 =	sgt.s32 s14, $0xC7  }
0x16: {  	s16 =	smov.u32 @p2 s12  }
0x17: {  	s14 =	simm.s32 @p2 $0x0;
	p2 =	sgt.s32 s16, $0xFFF  }
0x18: {  	s16 =	smov.u32 @p2 s2;
	p2 =	sne.s32 s11, s7  }
.Ltmp1:
0x19: {  	p1 =	slt.u32 s11, $0x2;
	(pc) =	sbr.rel @!p2 .LBB1_6-.Ltmp1, $4  }
0x1a: {  	s15 =	simm.s32 @!p1 $0x2  }
0x1b: {  	s13 =	smov.u32 s10;
	p0 =	por !p0, !p0;
	_ =	swait.ge @!p1 [sflag:s15], $0x2000  }
0x1c: {  	s12 =	smov.u32 s9;
	[sflag:s15] =	ssyncset.done @!p1 $0x0;
	s9 =	smov.u32 s14  }
0x1d: {  	s11 =	sadd.s32 $0x1, s11;
	[sflag:s15] =	ssyncadd.s32 @!p1 $0xFFFFE000;
	s10 =	smov.u32 s16  }
.LBB1_1:
0x1e: {  	p1 =	sge.u32 s11, s5  }
0x1f: {  	s14 =	sand.u32 @!p1 $0x1FFFFFF, s9  }
0x20: {  	s15 =	smulhi.u32 @!p1 $0x147AE15, s14;
	_ =	sdelay $0x1  }
0x21: {  	s15 =	smul.u32 @!p1 $0xC8, s15  }
0x22: {  	s16 =	sxor.u32 @!p1 $0xFFFFFFFF, s11;
	s17 =	smul.u32 @!p1 $0xC80, s10  }
0x23: {  	s31 =	sadd.s32 $0xFFFFFFFF, s11;
	s16 =	sshll.u32 @!p1 s16, $0xD;
	s14 =	ssub.s32 @!p1 s14, s15  }
0x24: {  	s15 =	sand.u32 @!p1 $0x2000, s16;
	s16 =	sadd.s32 @!p1 s6, s17;
	s14 =	sshll.u32 @!p1 s14, $0x4  }
0x25: {  	s17 =	simm.s32 @!p1 $0x6400;
	s14 =	sadd.s32 @!p1 s14, s16;
	s16 =	simm.s32 @!p1 $0x40  }
0x26: {  	[tilespmem:s15], [sflag:$0x1] =	stream.strided.gather @!p1 [hbm4b:s14+s16], $0x2000, s17, s16, $0x38;
	[tilespmem:$0x8080] =	vst v63  }
0x27: {  	p1 =	sge.u32 s31, s5  }
.Ltmp2:
0x28: {  	_ = 	snop;
	(pc) =	sbr.rel @p1 .LBB1_5-.Ltmp2, $1  }
0x29: {  	_ =	sdelay $0x3  }
0x2a: {  	s14 =	simm.s32 $0x1  }
0x2b: {  	_ =	swait.ge [sflag:s4], $0x2000;
	s14 =	simm.s32 @!p0 $0x0  }
0x2c: {  	[sflag:s4] =	ssyncset.done $0x0;
	s15 =	sshll.u32 s14, $0xD  }
0x2d: {  	[sflag:s4] =	ssyncadd.s32 $0xFFFFE000;
	s18 =	sor.u32 $0x20, s15  }
0x2e: {  	s14 =	smul.u32 $0x8100, s14;
	v3 =	vld [tilespmem:s18+$0x10]  }
0x2f: {  	s30 =	sand.u32 $0x1, s11;
	v2 =	vld [tilespmem:s18+$0xFFFFFFF0]  }
0x30: {  	s15 =	smul.u32 $0x8100, s30;
	s14 =	sshrl.u32 s14, $0x2;
	v0 =	vld [tilespmem:s18+$0x0]  }
0x31: {  	v1 =	vld [tilespmem:s18+$0xFFFFFFE0];
	s16 =	sor.u32 $0x4000, s14  }
0x32: {  	s31 =	sshrl.u32 s15, $0x2;
	s15 =	sadd.s32 $0x0, s16  }
0x33: {  	s17 =	simm.s32 $0x4;
	s18 =	sadd.s32 $0x40, s18;
	s14 =	sor.u32 $0x4000, s31;
	[tilespmem:s15+$0x1830 ss:$0x81] =	vst.msk $0xffff, v3  }
.LBB1_3:
0x34: {  	v3 =	vld [tilespmem:s18+$0x10];
	p1 =	sne.s32 s17, $0x1FC;
	[tilespmem:s15+$0x810 ss:$0x81] =	vst.msk $0xffff, v2;
	s19 =	smov.u32 s17;
	s17 =	sadd.s32 $0x4, s17  }
.Ltmp3:
0x35: {  	v2 =	vld [tilespmem:s18+$0xFFFFFFF0];
	[tilespmem:s15+$0x1020 ss:$0x81] =	vst.msk $0xffff, v0;
	(pc) =	sbr.rel @p1 .LBB1_3-.Ltmp3, $4  }
0x36: {  	v0 =	vld [tilespmem:s18+$0x0];
	[tilespmem:s15+$0x0 ss:$0x81] =	vst.msk $0xffff, v1  }
0x37: {  	s15 =	sshra.s32 s19, $0x2;
	v1 =	vld [tilespmem:s18+$0xFFFFFFE0]  }
0x38: {  	s15 =	sadd.s32 s15, s16  }
0x39: {  	s18 =	sadd.s32 $0x40, s18;
	[tilespmem:s15+$0x1830 ss:$0x81] =	vst.msk $0xffff, v3  }
.Ltmp4:
0x3a: {  	_ = 	snop;
	(pc) =	sbr.rel .LBB1_4-.Ltmp4, $1  }
0x3b: {  	_ =	sdelay $0x3  }
.LBB1_6:
0x3c: {  	_ =	sfence.sel $0x180000  }
0x3d: {  	s2 =	simm.s32 $0x1;
	[bflag:$0x0] =	sbarrier.arrive $0xFFFF  }
0x3e: {  	s31 =	simm.s32 $0x2;
	[sflag:s2] =	ssyncpa.u1 $0x1  }
0x3f: {  	[sflag:s31] =	ssyncpa.u1 $0x1  }
0x40: {  	p0 =	sne.s32 s0, $0x0;
	_ =	strace $0x9000004A  }
0x41: {  	s0 =	sadd.s32 @!p0 $0x100000, s1;
	[bflag:$0x2] =	sbarrier.arrive $0xFFFF  }
0x42: {  	[sflag:s0] =	ssyncadd.tile.s32 @!p0 $0x1;
	_ =	shalt  }
.Lfunc_end1:
_tile_overlayer_lowered:
.L_overlay_start_2:
0x43: {  	(tag) =	ssettag $0x2  }
0x44: {  	s0 =	rddreg [dreg:$0x0];
	s2 =	stileid.u32  }
0x45: {  	s1 =	rddreg [dreg:$0x1];
	p0 =	sne.s32 s2, $0x0  }
0x46: {  	s3 =	rddreg [dreg:$0x2];
	[bflag:$0x3] =	sbarrier.arrive $0xFFFF;
	s2 =	simm.s32 @!p0 $0x1C01  }
0x47: {  	[timem:s3], [sflag:s2] =	dma.local @!p0 [hbm:s0], s1  }
0x48: {  	s0 =	simm.s32 @!p0 $0x1  }
0x49: {  	_ =	swait.ge @!p0 [sflag:s0], s1  }
0x4a: {  	s1 =	ssub.s32 @!p0 $0x0, s1;
	[sflag:s0] =	ssyncset.done @!p0 $0x0  }
0x4b: {  	[sflag:s0] =	ssyncadd.s32 @!p0 s1  }
0x4c: {  	[bflag:$0x3] =	sbarrier.arrive $0xFFFF  }
0x4d: {  	_ =	shalt  }

</sc_bundles>
